<compile_context>
chip_gen: v7x
topology: tpu7x:2x2x1
jax: 0.10.2.dev20260603
libtpu: 0.0.44.dev20260713+nightly
codegen_flags: <defaults>
</compile_context>

<pallas_src>
import jax
import jax.numpy as jnp
from jax import lax
from jax.experimental import pallas as pl
from jax.experimental.pallas import tpu as pltpu
from jax.experimental.pallas import tpu_sc as plsc

PAGE_SIZE = 16
LANES = 16


def _copy_body(in_ref, out_ref):
    out_ref[...] = in_ref[...]


def _sc_patch_body(T, num_pages,
                   aip_hbm, pgi_hbm, pip_hbm, ll_hbm, k_hbm, v_hbm,
                   cache_ref, aip_v, pip_v, ll_v, pgi_v, bcast_v,
                   krows, vrows, sem):
    wid = lax.axis_index("s") * 2 + lax.axis_index("c")
    n_chunks = T // LANES

    @pl.when(wid < n_chunks)
    def _():
        base = wid * LANES
        tok = lax.iota(jnp.int32, LANES) + base

        seq = lax.shift_right_arithmetic(
            tok, jnp.full((LANES,), 31, jnp.int32))
        for step in (8, 4, 2, 1):
            cand = seq + step
            pltpu.async_copy(aip_hbm.at[cand], bcast_v, sem).wait()
            seq = jnp.where(bcast_v[...] <= tok, cand, seq)

        pltpu.async_copy(aip_hbm.at[seq], aip_v.at[0], sem).wait()
        pltpu.async_copy(aip_hbm.at[seq + 1], aip_v.at[1], sem).wait()
        pltpu.async_copy(pip_hbm.at[seq], pip_v.at[0], sem).wait()
        pltpu.async_copy(pip_hbm.at[seq + 1], pip_v.at[1], sem).wait()
        pltpu.async_copy(ll_hbm.at[seq], ll_v, sem).wait()
        aip_s = aip_v[0]
        aip_s1 = aip_v[1]
        pip_s = pip_v[0]
        pip_s1 = pip_v[1]
        ll_s = ll_v[...]

        local = tok - aip_s
        n_new = aip_s1 - aip_s
        seq_total = (pip_s1 - pip_s - 1) * PAGE_SIZE + ll_s
        pos = seq_total - n_new + local
        tbl = pip_s + lax.shift_right_arithmetic(
            pos, jnp.full((LANES,), 4, jnp.int32))
        pltpu.async_copy(pgi_hbm.at[tbl], pgi_v, sem).wait()
        page = pgi_v[...]
        slot = lax.bitwise_and(pos, jnp.full((LANES,), PAGE_SIZE - 1,
                                             jnp.int32))

        krow = page * (2 * PAGE_SIZE) + slot
        vrow = krow + PAGE_SIZE

        pltpu.sync_copy(k_hbm.at[pl.ds(base, LANES)], krows)
        pltpu.sync_copy(v_hbm.at[pl.ds(base, LANES)], vrows)
        pltpu.async_copy(krows, cache_ref.at[krow], sem).wait()
        pltpu.async_copy(vrows, cache_ref.at[vrow], sem).wait()


def kernel(k, v, kv_cache, kv_append_indptr, kv_page_indices, kv_page_indptr,
           kv_page_lastlen):
    T, heads, hdim = k.shape
    num_pages = kv_cache.shape[0]
    D = heads * hdim

    PB = 64
    copied = pl.pallas_call(
        _copy_body,
        grid=(num_pages // PB,),
        in_specs=[pl.BlockSpec((PB, 2, PAGE_SIZE, heads, hdim),
                               lambda i: (i, 0, 0, 0, 0))],
        out_specs=pl.BlockSpec((PB, 2, PAGE_SIZE, heads, hdim),
                               lambda i: (i, 0, 0, 0, 0)),
        out_shape=jax.ShapeDtypeStruct(kv_cache.shape, kv_cache.dtype),
        compiler_params=pltpu.CompilerParams(
            dimension_semantics=("arbitrary",)),
    )(kv_cache)

    import functools
    mesh = plsc.VectorSubcoreMesh(core_axis_name="c", subcore_axis_name="s")
    sc_patch = functools.partial(
        pl.kernel,
        mesh=mesh,
        scratch_types=[
            pltpu.VMEM((2, LANES), jnp.int32),
            pltpu.VMEM((2, LANES), jnp.int32),
            pltpu.VMEM((LANES,), jnp.int32),
            pltpu.VMEM((LANES,), jnp.int32),
            pltpu.VMEM((LANES,), jnp.int32),
            pltpu.VMEM((LANES, D), jnp.float32),
            pltpu.VMEM((LANES, D), jnp.float32),
            pltpu.SemaphoreType.DMA,
        ],
    )(functools.partial(_sc_patch_body, T, num_pages))

    cache2 = copied.reshape(num_pages * 2 * PAGE_SIZE, D)
    cache_ref = jax.new_ref(cache2)
    sc_patch(kv_append_indptr, kv_page_indices, kv_page_indptr,
             kv_page_lastlen, k.reshape(T, D), v.reshape(T, D), cache_ref)
    return cache_ref[...].reshape(kv_cache.shape)

# --- scband reference (transcript-rebuilt; emitter-appended) ---
"""Pipeline reference for scband-kvcache-8512625181195 (READ-ONLY COPY).

The authoritative reference and input builder live on the scoring server;
editing this copy changes nothing except your own understanding.
"""

import jax, jax.numpy as jnp
import numpy as np

PAGE_SIZE = 16
MAX_NUM_PAGES = 4096
N_HEADS = 8
HEAD_DIM = 128
BATCH = 16
Q_LEN = 16
PAGES_PER_SEQ = MAX_NUM_PAGES // BATCH  # 256


def setup_inputs(seed: int = 0) -> dict:
    key = jax.random.key(seed)
    k1, k2 = jax.random.split(key)
    T = BATCH * Q_LEN  # 256 appended tokens total
    k = jax.random.normal(k1, (T, N_HEADS, HEAD_DIM), dtype=jnp.float32)
    v = jax.random.normal(k2, (T, N_HEADS, HEAD_DIM), dtype=jnp.float32)
    # cumulative counts of appended tokens per sequence: [0,16,32,...,256]
    kv_append_indptr = (jnp.arange(BATCH + 1, dtype=jnp.int32) * Q_LEN)
    # page table: sequence b owns pages [b*256, (b+1)*256)
    kv_page_indices = jnp.arange(MAX_NUM_PAGES, dtype=jnp.int32)
    kv_page_indptr = (jnp.arange(BATCH + 1, dtype=jnp.int32) * PAGES_PER_SEQ)
    # each sequence's last page is exactly full after the append (4096 tokens)
    kv_page_lastlen = jnp.full((BATCH,), PAGE_SIZE, dtype=jnp.int32)
    # the persistent paged KV cache buffer (registered buffer in torch)
    kv_cache = jnp.zeros((MAX_NUM_PAGES, 2, PAGE_SIZE, N_HEADS, HEAD_DIM), dtype=jnp.float32)
    return {
        "k": k,
        "v": v,
        "kv_cache": kv_cache,
        "kv_append_indptr": kv_append_indptr,
        "kv_page_indices": kv_page_indices,
        "kv_page_indptr": kv_page_indptr,
        "kv_page_lastlen": kv_page_lastlen,
    }


def reference(k, v, kv_cache, kv_append_indptr, kv_page_indices, kv_page_indptr, kv_page_lastlen):
    """Faithful jax translation of KVCache.update_target, i.e. a paged-KV
    append (flashinfer-style append_paged_kv_cache): scatter the newly
    produced (k, v) tokens into their slots in the paged cache and return
    the updated cache.
    The page-table metadata describes the cache state AFTER the append, so
    the appended tokens occupy the LAST n_new positions of each sequence.
    """
    T = k.shape[0]
    tok = jnp.arange(T, dtype=jnp.int32)
    # which sequence does each appended token belong to
    seq = jnp.searchsorted(kv_append_indptr, tok, side="right").astype(jnp.int32) - 1
    local = tok - kv_append_indptr[seq]                      # offset within this seq's appended chunk
    n_new = kv_append_indptr[seq + 1] - kv_append_indptr[seq]
    n_pages = kv_page_indptr[seq + 1] - kv_page_indptr[seq]
    seq_total = (n_pages - 1) * PAGE_SIZE + kv_page_lastlen[seq]
    pos = seq_total - n_new + local                          # absolute position in the sequence
    page = kv_page_indices[kv_page_indptr[seq] + pos // PAGE_SIZE]
    slot = pos % PAGE_SIZE
    # scatter-overwrite into the cache: k -> [:,0], v -> [:,1]
    cache = kv_cache.at[page, 0, slot].set(k)
    cache = cache.at[page, 1, slot].set(v)
    return cache

if __name__ == "__main__":
    import jax
    _d = setup_inputs()
    print(jax.jit(kernel)(*tuple(_d.values())))

</pallas_src>

<mosaic_0001>
#map = affine_map<(d0, d1) -> (0)>
#map1 = affine_map<(d0, d1) -> (0, 0)>
module attributes {stable_mosaic.version = 14 : i64} {
  func.func @new_body(%arg0: i32, %arg1: i32, %arg2: memref<17xi32, #tpu.memory_space<hbm>>, %arg3: memref<4096xi32, #tpu.memory_space<hbm>>, %arg4: memref<17xi32, #tpu.memory_space<hbm>>, %arg5: memref<16xi32, #tpu.memory_space<hbm>>, %arg6: memref<256x1024xf32, #tpu.memory_space<hbm>>, %arg7: memref<256x1024xf32, #tpu.memory_space<hbm>>, %arg8: memref<131072x1024xf32, #tpu.memory_space<hbm>>, %arg9: memref<131072x1024xf32, #tpu.memory_space<hbm>>, %arg10: memref<2x16xi32, #tpu.memory_space<vmem>>, %arg11: memref<2x16xi32, #tpu.memory_space<vmem>>, %arg12: memref<16xi32, #tpu.memory_space<vmem>>, %arg13: memref<16xi32, #tpu.memory_space<vmem>>, %arg14: memref<16xi32, #tpu.memory_space<vmem>>, %arg15: memref<16x1024xf32, #tpu.memory_space<vmem>>, %arg16: memref<16x1024xf32, #tpu.memory_space<vmem>>, %arg17: memref<!tpu.dma_semaphore, #tpu.memory_space<semaphore_mem>>) attributes {dimension_semantics = [#tpu.dimension_semantics<core_parallel>, #tpu.dimension_semantics<subcore_parallel>], iteration_bounds = array<i64: 2, 16>, scalar_prefetch = 0 : i64, scratch_operands = 8 : i64, tpu.core_type = #tpu.core_type<sc_vector_subcore>, window_params = [{transform_indices = #map}, {transform_indices = #map}, {transform_indices = #map}, {transform_indices = #map}, {transform_indices = #map1}, {transform_indices = #map1}, {transform_indices = #map1}, {transform_indices = #map1}]} {
    %mul3A = arith.constant 2 : i32
    %mul3A_0 = arith.muli %arg1, %mul3A : i32
    %add3A = arith.addi %mul3A_0, %arg0 : i32
    %lt3A = arith.constant 16 : i32
    %lt3A_1 = arith.cmpi slt, %add3A, %lt3A : i32
    %convert_element_type3A = arith.extui %lt3A_1 : i1 to i32
    %cond3A = arith.constant 0 : i32
    %cond3A_2 = arith.cmpi ne, %convert_element_type3A, %cond3A : i32
    scf.if %cond3A_2 {
      %mul3A_3 = arith.constant 16 : i32
      %mul3A_4 = arith.muli %add3A, %mul3A_3 : i32
      %iota3A = tpu.iota {dimensions = array<i32: 0>} : vector<16xi32>
      %add3A_5 = vector.broadcast %mul3A_4 : i32 to vector<16xi32>
      %add3A_6 = arith.addi %iota3A, %add3A_5 : vector<16xi32>
      %broadcast_in_dim3A = arith.constant 31 : i32
      %broadcast_in_dim3A_7 = vector.broadcast %broadcast_in_dim3A : i32 to vector<16xi32>
      %shift_right_arithmetic3A = arith.shrsi %add3A_6, %broadcast_in_dim3A_7 : vector<16xi32>
      %add3A_8 = arith.constant 8 : i32
      %add3A_9 = vector.broadcast %add3A_8 : i32 to vector<16xi32>
      %add3A_10 = arith.addi %shift_right_arithmetic3A, %add3A_9 : vector<16xi32>
      %dma_start3A = arith.constant 0 : i32
      %dma_start3A_11 = tpu.memref_slice %arg2[%dma_start3A] : memref<17xi32, #tpu.memory_space<hbm>> -> memref<17xi32, #tpu.memory_space<hbm>>
      tpu.enqueue_indirect_dma source(%dma_start3A_11 : memref<17xi32, #tpu.memory_space<hbm>>) target(%arg14 : memref<16xi32, #tpu.memory_space<vmem>>) offsets(%add3A_10 : vector<16xi32>) semaphore(%arg17 : memref<!tpu.dma_semaphore, #tpu.memory_space<semaphore_mem>>)
      %dma_wait3A = arith.constant 0 : i32
      %dma_wait3A_12 = tpu.memref_slice %arg2[%dma_wait3A] : memref<17xi32, #tpu.memory_space<hbm>> -> memref<17xi32, #tpu.memory_space<hbm>>
      tpu.wait_indirect_dma semaphore(%arg17 : memref<!tpu.dma_semaphore, #tpu.memory_space<semaphore_mem>>) src(%dma_wait3A_12 : memref<17xi32, #tpu.memory_space<hbm>>) dst(%arg14 : memref<16xi32, #tpu.memory_space<vmem>>)
      %get3A = arith.constant 0 : index
      %get3A_13 = tpu.vector_load %arg14[%get3A] {strides = array<i32>} : memref<16xi32, #tpu.memory_space<vmem>>, vector<16xi32>,
      %get3A_14 = vector.shape_cast %get3A_13 : vector<16xi32> to vector<16xi32>
      %le3A = arith.cmpi sle, %get3A_14, %add3A_6 : vector<16xi32>
      %select_n3A = arith.select %le3A, %add3A_10, %shift_right_arithmetic3A : vector<16xi1>, vector<16xi32>
      %add3A_15 = arith.constant 4 : i32
      %add3A_16 = vector.broadcast %add3A_15 : i32 to vector<16xi32>
      %add3A_17 = arith.addi %select_n3A, %add3A_16 : vector<16xi32>
      %dma_start3A_18 = arith.constant 0 : i32
      %dma_start3A_19 = tpu.memref_slice %arg2[%dma_start3A_18] : memref<17xi32, #tpu.memory_space<hbm>> -> memref<17xi32, #tpu.memory_space<hbm>>
      tpu.enqueue_indirect_dma source(%dma_start3A_19 : memref<17xi32, #tpu.memory_space<hbm>>) target(%arg14 : memref<16xi32, #tpu.memory_space<vmem>>) offsets(%add3A_17 : vector<16xi32>) semaphore(%arg17 : memref<!tpu.dma_semaphore, #tpu.memory_space<semaphore_mem>>)
      %dma_wait3A_20 = arith.constant 0 : i32
      %dma_wait3A_21 = tpu.memref_slice %arg2[%dma_wait3A_20] : memref<17xi32, #tpu.memory_space<hbm>> -> memref<17xi32, #tpu.memory_space<hbm>>
      tpu.wait_indirect_dma semaphore(%arg17 : memref<!tpu.dma_semaphore, #tpu.memory_space<semaphore_mem>>) src(%dma_wait3A_21 : memref<17xi32, #tpu.memory_space<hbm>>) dst(%arg14 : memref<16xi32, #tpu.memory_space<vmem>>)
      %get3A_22 = arith.constant 0 : index
      %get3A_23 = tpu.vector_load %arg14[%get3A_22] {strides = array<i32>} : memref<16xi32, #tpu.memory_space<vmem>>, vector<16xi32>,
      %get3A_24 = vector.shape_cast %get3A_23 : vector<16xi32> to vector<16xi32>
      %le3A_25 = arith.cmpi sle, %get3A_24, %add3A_6 : vector<16xi32>
      %select_n3A_26 = arith.select %le3A_25, %add3A_17, %select_n3A : vector<16xi1>, vector<16xi32>
      %add3A_27 = arith.constant 2 : i32
      %add3A_28 = vector.broadcast %add3A_27 : i32 to vector<16xi32>
      %add3A_29 = arith.addi %select_n3A_26, %add3A_28 : vector<16xi32>
      %dma_start3A_30 = arith.constant 0 : i32
      %dma_start3A_31 = tpu.memref_slice %arg2[%dma_start3A_30] : memref<17xi32, #tpu.memory_space<hbm>> -> memref<17xi32, #tpu.memory_space<hbm>>
      tpu.enqueue_indirect_dma source(%dma_start3A_31 : memref<17xi32, #tpu.memory_space<hbm>>) target(%arg14 : memref<16xi32, #tpu.memory_space<vmem>>) offsets(%add3A_29 : vector<16xi32>) semaphore(%arg17 : memref<!tpu.dma_semaphore, #tpu.memory_space<semaphore_mem>>)
      %dma_wait3A_32 = arith.constant 0 : i32
      %dma_wait3A_33 = tpu.memref_slice %arg2[%dma_wait3A_32] : memref<17xi32, #tpu.memory_space<hbm>> -> memref<17xi32, #tpu.memory_space<hbm>>
      tpu.wait_indirect_dma semaphore(%arg17 : memref<!tpu.dma_semaphore, #tpu.memory_space<semaphore_mem>>) src(%dma_wait3A_33 : memref<17xi32, #tpu.memory_space<hbm>>) dst(%arg14 : memref<16xi32, #tpu.memory_space<vmem>>)
      %get3A_34 = arith.constant 0 : index
      %get3A_35 = tpu.vector_load %arg14[%get3A_34] {strides = array<i32>} : memref<16xi32, #tpu.memory_space<vmem>>, vector<16xi32>,
      %get3A_36 = vector.shape_cast %get3A_35 : vector<16xi32> to vector<16xi32>
      %le3A_37 = arith.cmpi sle, %get3A_36, %add3A_6 : vector<16xi32>
      %select_n3A_38 = arith.select %le3A_37, %add3A_29, %select_n3A_26 : vector<16xi1>, vector<16xi32>
      %add3A_39 = arith.constant 1 : i32
      %add3A_40 = vector.broadcast %add3A_39 : i32 to vector<16xi32>
      %add3A_41 = arith.addi %select_n3A_38, %add3A_40 : vector<16xi32>
      %dma_start3A_42 = arith.constant 0 : i32
      %dma_start3A_43 = tpu.memref_slice %arg2[%dma_start3A_42] : memref<17xi32, #tpu.memory_space<hbm>> -> memref<17xi32, #tpu.memory_space<hbm>>
      tpu.enqueue_indirect_dma source(%dma_start3A_43 : memref<17xi32, #tpu.memory_space<hbm>>) target(%arg14 : memref<16xi32, #tpu.memory_space<vmem>>) offsets(%add3A_41 : vector<16xi32>) semaphore(%arg17 : memref<!tpu.dma_semaphore, #tpu.memory_space<semaphore_mem>>)
      %dma_wait3A_44 = arith.constant 0 : i32
      %dma_wait3A_45 = tpu.memref_slice %arg2[%dma_wait3A_44] : memref<17xi32, #tpu.memory_space<hbm>> -> memref<17xi32, #tpu.memory_space<hbm>>
      tpu.wait_indirect_dma semaphore(%arg17 : memref<!tpu.dma_semaphore, #tpu.memory_space<semaphore_mem>>) src(%dma_wait3A_45 : memref<17xi32, #tpu.memory_space<hbm>>) dst(%arg14 : memref<16xi32, #tpu.memory_space<vmem>>)
      %get3A_46 = arith.constant 0 : index
      %get3A_47 = tpu.vector_load %arg14[%get3A_46] {strides = array<i32>} : memref<16xi32, #tpu.memory_space<vmem>>, vector<16xi32>,
      %get3A_48 = vector.shape_cast %get3A_47 : vector<16xi32> to vector<16xi32>
      %le3A_49 = arith.cmpi sle, %get3A_48, %add3A_6 : vector<16xi32>
      %select_n3A_50 = arith.select %le3A_49, %add3A_41, %select_n3A_38 : vector<16xi1>, vector<16xi32>
      %dma_start3A_51 = arith.constant 0 : i32
      %dma_start3A_52 = arith.constant 0 : i32
      %dma_start3A_53 = tpu.memref_slice %arg10[%dma_start3A_51, %dma_start3A_52] : memref<2x16xi32, #tpu.memory_space<vmem>> -> memref<1x16xi32, #tpu.memory_space<vmem>>
      %dma_start3A_54 = tpu.memref_squeeze %dma_start3A_53 : memref<1x16xi32, #tpu.memory_space<vmem>> -> memref<16xi32, #tpu.memory_space<vmem>>
      %dma_start3A_55 = arith.constant 0 : i32
      %dma_start3A_56 = tpu.memref_slice %arg2[%dma_start3A_55] : memref<17xi32, #tpu.memory_space<hbm>> -> memref<17xi32, #tpu.memory_space<hbm>>
      tpu.enqueue_indirect_dma source(%dma_start3A_56 : memref<17xi32, #tpu.memory_space<hbm>>) target(%dma_start3A_54 : memref<16xi32, #tpu.memory_space<vmem>>) offsets(%select_n3A_50 : vector<16xi32>) semaphore(%arg17 : memref<!tpu.dma_semaphore, #tpu.memory_space<semaphore_mem>>)
      %dma_wait3A_57 = arith.constant 0 : i32
      %dma_wait3A_58 = arith.constant 0 : i32
      %dma_wait3A_59 = tpu.memref_slice %arg10[%dma_wait3A_57, %dma_wait3A_58] : memref<2x16xi32, #tpu.memory_space<vmem>> -> memref<1x16xi32, #tpu.memory_space<vmem>>
      %dma_wait3A_60 = tpu.memref_squeeze %dma_wait3A_59 : memref<1x16xi32, #tpu.memory_space<vmem>> -> memref<16xi32, #tpu.memory_space<vmem>>
      %dma_wait3A_61 = arith.constant 0 : i32
      %dma_wait3A_62 = tpu.memref_slice %arg2[%dma_wait3A_61] : memref<17xi32, #tpu.memory_space<hbm>> -> memref<17xi32, #tpu.memory_space<hbm>>
      tpu.wait_indirect_dma semaphore(%arg17 : memref<!tpu.dma_semaphore, #tpu.memory_space<semaphore_mem>>) src(%dma_wait3A_62 : memref<17xi32, #tpu.memory_space<hbm>>) dst(%dma_wait3A_60 : memref<16xi32, #tpu.memory_space<vmem>>)
      %add3A_63 = arith.constant 1 : i32
      %add3A_64 = vector.broadcast %add3A_63 : i32 to vector<16xi32>
      %add3A_65 = arith.addi %select_n3A_50, %add3A_64 : vector<16xi32>
      %dma_start3A_66 = arith.constant 1 : i32
      %dma_start3A_67 = arith.constant 0 : i32
      %dma_start3A_68 = tpu.memref_slice %arg10[%dma_start3A_66, %dma_start3A_67] : memref<2x16xi32, #tpu.memory_space<vmem>> -> memref<1x16xi32, #tpu.memory_space<vmem>>
      %dma_start3A_69 = tpu.memref_squeeze %dma_start3A_68 : memref<1x16xi32, #tpu.memory_space<vmem>> -> memref<16xi32, #tpu.memory_space<vmem>>
      %dma_start3A_70 = arith.constant 0 : i32
      %dma_start3A_71 = tpu.memref_slice %arg2[%dma_start3A_70] : memref<17xi32, #tpu.memory_space<hbm>> -> memref<17xi32, #tpu.memory_space<hbm>>
      tpu.enqueue_indirect_dma source(%dma_start3A_71 : memref<17xi32, #tpu.memory_space<hbm>>) target(%dma_start3A_69 : memref<16xi32, #tpu.memory_space<vmem>>) offsets(%add3A_65 : vector<16xi32>) semaphore(%arg17 : memref<!tpu.dma_semaphore, #tpu.memory_space<semaphore_mem>>)
      %dma_wait3A_72 = arith.constant 1 : i32
      %dma_wait3A_73 = arith.constant 0 : i32
      %dma_wait3A_74 = tpu.memref_slice %arg10[%dma_wait3A_72, %dma_wait3A_73] : memref<2x16xi32, #tpu.memory_space<vmem>> -> memref<1x16xi32, #tpu.memory_space<vmem>>
      %dma_wait3A_75 = tpu.memref_squeeze %dma_wait3A_74 : memref<1x16xi32, #tpu.memory_space<vmem>> -> memref<16xi32, #tpu.memory_space<vmem>>
      %dma_wait3A_76 = arith.constant 0 : i32
      %dma_wait3A_77 = tpu.memref_slice %arg2[%dma_wait3A_76] : memref<17xi32, #tpu.memory_space<hbm>> -> memref<17xi32, #tpu.memory_space<hbm>>
      tpu.wait_indirect_dma semaphore(%arg17 : memref<!tpu.dma_semaphore, #tpu.memory_space<semaphore_mem>>) src(%dma_wait3A_77 : memref<17xi32, #tpu.memory_space<hbm>>) dst(%dma_wait3A_75 : memref<16xi32, #tpu.memory_space<vmem>>)
      %dma_start3A_78 = arith.constant 0 : i32
      %dma_start3A_79 = arith.constant 0 : i32
      %dma_start3A_80 = tpu.memref_slice %arg11[%dma_start3A_78, %dma_start3A_79] : memref<2x16xi32, #tpu.memory_space<vmem>> -> memref<1x16xi32, #tpu.memory_space<vmem>>
      %dma_start3A_81 = tpu.memref_squeeze %dma_start3A_80 : memref<1x16xi32, #tpu.memory_space<vmem>> -> memref<16xi32, #tpu.memory_space<vmem>>
      %dma_start3A_82 = arith.constant 0 : i32
      %dma_start3A_83 = tpu.memref_slice %arg4[%dma_start3A_82] : memref<17xi32, #tpu.memory_space<hbm>> -> memref<17xi32, #tpu.memory_space<hbm>>
      tpu.enqueue_indirect_dma source(%dma_start3A_83 : memref<17xi32, #tpu.memory_space<hbm>>) target(%dma_start3A_81 : memref<16xi32, #tpu.memory_space<vmem>>) offsets(%select_n3A_50 : vector<16xi32>) semaphore(%arg17 : memref<!tpu.dma_semaphore, #tpu.memory_space<semaphore_mem>>)
      %dma_wait3A_84 = arith.constant 0 : i32
      %dma_wait3A_85 = arith.constant 0 : i32
      %dma_wait3A_86 = tpu.memref_slice %arg11[%dma_wait3A_84, %dma_wait3A_85] : memref<2x16xi32, #tpu.memory_space<vmem>> -> memref<1x16xi32, #tpu.memory_space<vmem>>
      %dma_wait3A_87 = tpu.memref_squeeze %dma_wait3A_86 : memref<1x16xi32, #tpu.memory_space<vmem>> -> memref<16xi32, #tpu.memory_space<vmem>>
      %dma_wait3A_88 = arith.constant 0 : i32
      %dma_wait3A_89 = tpu.memref_slice %arg4[%dma_wait3A_88] : memref<17xi32, #tpu.memory_space<hbm>> -> memref<17xi32, #tpu.memory_space<hbm>>
      tpu.wait_indirect_dma semaphore(%arg17 : memref<!tpu.dma_semaphore, #tpu.memory_space<semaphore_mem>>) src(%dma_wait3A_89 : memref<17xi32, #tpu.memory_space<hbm>>) dst(%dma_wait3A_87 : memref<16xi32, #tpu.memory_space<vmem>>)
      %add3A_90 = arith.constant 1 : i32
      %add3A_91 = vector.broadcast %add3A_90 : i32 to vector<16xi32>
      %add3A_92 = arith.addi %select_n3A_50, %add3A_91 : vector<16xi32>
      %dma_start3A_93 = arith.constant 1 : i32
      %dma_start3A_94 = arith.constant 0 : i32
      %dma_start3A_95 = tpu.memref_slice %arg11[%dma_start3A_93, %dma_start3A_94] : memref<2x16xi32, #tpu.memory_space<vmem>> -> memref<1x16xi32, #tpu.memory_space<vmem>>
      %dma_start3A_96 = tpu.memref_squeeze %dma_start3A_95 : memref<1x16xi32, #tpu.memory_space<vmem>> -> memref<16xi32, #tpu.memory_space<vmem>>
      %dma_start3A_97 = arith.constant 0 : i32
      %dma_start3A_98 = tpu.memref_slice %arg4[%dma_start3A_97] : memref<17xi32, #tpu.memory_space<hbm>> -> memref<17xi32, #tpu.memory_space<hbm>>
      tpu.enqueue_indirect_dma source(%dma_start3A_98 : memref<17xi32, #tpu.memory_space<hbm>>) target(%dma_start3A_96 : memref<16xi32, #tpu.memory_space<vmem>>) offsets(%add3A_92 : vector<16xi32>) semaphore(%arg17 : memref<!tpu.dma_semaphore, #tpu.memory_space<semaphore_mem>>)
      %dma_wait3A_99 = arith.constant 1 : i32
      %dma_wait3A_100 = arith.constant 0 : i32
      %dma_wait3A_101 = tpu.memref_slice %arg11[%dma_wait3A_99, %dma_wait3A_100] : memref<2x16xi32, #tpu.memory_space<vmem>> -> memref<1x16xi32, #tpu.memory_space<vmem>>
      %dma_wait3A_102 = tpu.memref_squeeze %dma_wait3A_101 : memref<1x16xi32, #tpu.memory_space<vmem>> -> memref<16xi32, #tpu.memory_space<vmem>>
      %dma_wait3A_103 = arith.constant 0 : i32
      %dma_wait3A_104 = tpu.memref_slice %arg4[%dma_wait3A_103] : memref<17xi32, #tpu.memory_space<hbm>> -> memref<17xi32, #tpu.memory_space<hbm>>
      tpu.wait_indirect_dma semaphore(%arg17 : memref<!tpu.dma_semaphore, #tpu.memory_space<semaphore_mem>>) src(%dma_wait3A_104 : memref<17xi32, #tpu.memory_space<hbm>>) dst(%dma_wait3A_102 : memref<16xi32, #tpu.memory_space<vmem>>)
      %dma_start3A_105 = arith.constant 0 : i32
      %dma_start3A_106 = tpu.memref_slice %arg5[%dma_start3A_105] : memref<16xi32, #tpu.memory_space<hbm>> -> memref<16xi32, #tpu.memory_space<hbm>>
      tpu.enqueue_indirect_dma source(%dma_start3A_106 : memref<16xi32, #tpu.memory_space<hbm>>) target(%arg12 : memref<16xi32, #tpu.memory_space<vmem>>) offsets(%select_n3A_50 : vector<16xi32>) semaphore(%arg17 : memref<!tpu.dma_semaphore, #tpu.memory_space<semaphore_mem>>)
      %dma_wait3A_107 = arith.constant 0 : i32
      %dma_wait3A_108 = tpu.memref_slice %arg5[%dma_wait3A_107] : memref<16xi32, #tpu.memory_space<hbm>> -> memref<16xi32, #tpu.memory_space<hbm>>
      tpu.wait_indirect_dma semaphore(%arg17 : memref<!tpu.dma_semaphore, #tpu.memory_space<semaphore_mem>>) src(%dma_wait3A_108 : memref<16xi32, #tpu.memory_space<hbm>>) dst(%arg12 : memref<16xi32, #tpu.memory_space<vmem>>)
      %get3A_109 = arith.constant 0 : i32
      %get3A_110 = arith.index_cast %get3A_109 : i32 to index
      %get3A_111 = arith.constant 0 : index
      %get3A_112 = tpu.vector_load %arg10[%get3A_110, %get3A_111] {strides = array<i32>} : memref<2x16xi32, #tpu.memory_space<vmem>>, vector<1x16xi32>,
      %get3A_113 = vector.shape_cast %get3A_112 : vector<1x16xi32> to vector<16xi32>
      %get3A_114 = arith.constant 1 : i32
      %get3A_115 = arith.index_cast %get3A_114 : i32 to index
      %get3A_116 = arith.constant 0 : index
      %get3A_117 = tpu.vector_load %arg10[%get3A_115, %get3A_116] {strides = array<i32>} : memref<2x16xi32, #tpu.memory_space<vmem>>, vector<1x16xi32>,
      %get3A_118 = vector.shape_cast %get3A_117 : vector<1x16xi32> to vector<16xi32>
      %get3A_119 = arith.constant 0 : i32
      %get3A_120 = arith.index_cast %get3A_119 : i32 to index
      %get3A_121 = arith.constant 0 : index
      %get3A_122 = tpu.vector_load %arg11[%get3A_120, %get3A_121] {strides = array<i32>} : memref<2x16xi32, #tpu.memory_space<vmem>>, vector<1x16xi32>,
      %get3A_123 = vector.shape_cast %get3A_122 : vector<1x16xi32> to vector<16xi32>
      %get3A_124 = arith.constant 1 : i32
      %get3A_125 = arith.index_cast %get3A_124 : i32 to index
      %get3A_126 = arith.constant 0 : index
      %get3A_127 = tpu.vector_load %arg11[%get3A_125, %get3A_126] {strides = array<i32>} : memref<2x16xi32, #tpu.memory_space<vmem>>, vector<1x16xi32>,
      %get3A_128 = vector.shape_cast %get3A_127 : vector<1x16xi32> to vector<16xi32>
      %get3A_129 = arith.constant 0 : index
      %get3A_130 = tpu.vector_load %arg12[%get3A_129] {strides = array<i32>} : memref<16xi32, #tpu.memory_space<vmem>>, vector<16xi32>,
      %get3A_131 = vector.shape_cast %get3A_130 : vector<16xi32> to vector<16xi32>
      %sub3A = arith.subi %add3A_6, %get3A_113 : vector<16xi32>
      %sub3A_132 = arith.subi %get3A_118, %get3A_113 : vector<16xi32>
      %sub3A_133 = arith.subi %get3A_128, %get3A_123 : vector<16xi32>
      %sub3A_134 = arith.constant 1 : i32
      %sub3A_135 = vector.broadcast %sub3A_134 : i32 to vector<16xi32>
      %sub3A_136 = arith.subi %sub3A_133, %sub3A_135 : vector<16xi32>
      %mul3A_137 = arith.constant 16 : i32
      %mul3A_138 = vector.broadcast %mul3A_137 : i32 to vector<16xi32>
      %mul3A_139 = arith.muli %sub3A_136, %mul3A_138 : vector<16xi32>
      %add3A_140 = arith.addi %mul3A_139, %get3A_131 : vector<16xi32>
      %sub3A_141 = arith.subi %add3A_140, %sub3A_132 : vector<16xi32>
      %add3A_142 = arith.addi %sub3A_141, %sub3A : vector<16xi32>
      %broadcast_in_dim3A_143 = arith.constant 4 : i32
      %broadcast_in_dim3A_144 = vector.broadcast %broadcast_in_dim3A_143 : i32 to vector<16xi32>
      %shift_right_arithmetic3A_145 = arith.shrsi %add3A_142, %broadcast_in_dim3A_144 : vector<16xi32>
      %add3A_146 = arith.addi %get3A_123, %shift_right_arithmetic3A_145 : vector<16xi32>
      %dma_start3A_147 = arith.constant 0 : i32
      %dma_start3A_148 = tpu.memref_slice %arg3[%dma_start3A_147] : memref<4096xi32, #tpu.memory_space<hbm>> -> memref<4096xi32, #tpu.memory_space<hbm>>
      tpu.enqueue_indirect_dma source(%dma_start3A_148 : memref<4096xi32, #tpu.memory_space<hbm>>) target(%arg13 : memref<16xi32, #tpu.memory_space<vmem>>) offsets(%add3A_146 : vector<16xi32>) semaphore(%arg17 : memref<!tpu.dma_semaphore, #tpu.memory_space<semaphore_mem>>)
      %dma_wait3A_149 = arith.constant 0 : i32
      %dma_wait3A_150 = tpu.memref_slice %arg3[%dma_wait3A_149] : memref<4096xi32, #tpu.memory_space<hbm>> -> memref<4096xi32, #tpu.memory_space<hbm>>
      tpu.wait_indirect_dma semaphore(%arg17 : memref<!tpu.dma_semaphore, #tpu.memory_space<semaphore_mem>>) src(%dma_wait3A_150 : memref<4096xi32, #tpu.memory_space<hbm>>) dst(%arg13 : memref<16xi32, #tpu.memory_space<vmem>>)
      %get3A_151 = arith.constant 0 : index
      %get3A_152 = tpu.vector_load %arg13[%get3A_151] {strides = array<i32>} : memref<16xi32, #tpu.memory_space<vmem>>, vector<16xi32>,
      %get3A_153 = vector.shape_cast %get3A_152 : vector<16xi32> to vector<16xi32>
      %broadcast_in_dim3A_154 = arith.constant 15 : i32
      %broadcast_in_dim3A_155 = vector.broadcast %broadcast_in_dim3A_154 : i32 to vector<16xi32>
      %and3A = arith.andi %add3A_142, %broadcast_in_dim3A_155 : vector<16xi32>
      %mul3A_156 = arith.constant 32 : i32
      %mul3A_157 = vector.broadcast %mul3A_156 : i32 to vector<16xi32>
      %mul3A_158 = arith.muli %get3A_153, %mul3A_157 : vector<16xi32>
      %add3A_159 = arith.addi %mul3A_158, %and3A : vector<16xi32>
      %add3A_160 = arith.constant 16 : i32
      %add3A_161 = vector.broadcast %add3A_160 : i32 to vector<16xi32>
      %add3A_162 = arith.addi %add3A_159, %add3A_161 : vector<16xi32>
      "tpu.region"() ({
        %run_scoped3A = tpu.sem_alloc : memref<!tpu.dma_semaphore, #tpu.memory_space<semaphore_mem>>
        %dma_start3A_175 = arith.constant 0 : i32
        %dma_start3A_176 = tpu.memref_slice %arg6[%mul3A_4, %dma_start3A_175] : memref<256x1024xf32, #tpu.memory_space<hbm>> -> memref<16x1024xf32, #tpu.memory_space<hbm>>
        %dma_start3A_177 = arith.constant 0 : i32
        %dma_start3A_178 = tpu.memref_slice %arg6[%mul3A_4, %dma_start3A_177] : memref<256x1024xf32, #tpu.memory_space<hbm>> -> memref<16x1024xf32, #tpu.memory_space<hbm>>
        tpu.enqueue_dma source(%dma_start3A_178 : memref<16x1024xf32, #tpu.memory_space<hbm>>) target(%arg15 : memref<16x1024xf32, #tpu.memory_space<vmem>>) target_semaphore(%run_scoped3A : memref<!tpu.dma_semaphore, #tpu.memory_space<semaphore_mem>>)
        %dma_wait3A_179 = arith.constant 0 : i32
        %dma_wait3A_180 = tpu.memref_slice %arg6[%mul3A_4, %dma_wait3A_179] : memref<256x1024xf32, #tpu.memory_space<hbm>> -> memref<16x1024xf32, #tpu.memory_space<hbm>>
        %dma_wait3A_181 = arith.constant 0 : i32
        %dma_wait3A_182 = tpu.memref_slice %arg6[%mul3A_4, %dma_wait3A_181] : memref<256x1024xf32, #tpu.memory_space<hbm>> -> memref<16x1024xf32, #tpu.memory_space<hbm>>
        tpu.wait_dma2 semaphore(%run_scoped3A : memref<!tpu.dma_semaphore, #tpu.memory_space<semaphore_mem>>) src(%dma_wait3A_182 : memref<16x1024xf32, #tpu.memory_space<hbm>>) dst(%arg15 : memref<16x1024xf32, #tpu.memory_space<vmem>>)
        tpu.yield
      }) : () -> ()
      "tpu.region"() ({
        %run_scoped3A = tpu.sem_alloc : memref<!tpu.dma_semaphore, #tpu.memory_space<semaphore_mem>>
        %dma_start3A_175 = arith.constant 0 : i32
        %dma_start3A_176 = tpu.memref_slice %arg7[%mul3A_4, %dma_start3A_175] : memref<256x1024xf32, #tpu.memory_space<hbm>> -> memref<16x1024xf32, #tpu.memory_space<hbm>>
        %dma_start3A_177 = arith.constant 0 : i32
        %dma_start3A_178 = tpu.memref_slice %arg7[%mul3A_4, %dma_start3A_177] : memref<256x1024xf32, #tpu.memory_space<hbm>> -> memref<16x1024xf32, #tpu.memory_space<hbm>>
        tpu.enqueue_dma source(%dma_start3A_178 : memref<16x1024xf32, #tpu.memory_space<hbm>>) target(%arg16 : memref<16x1024xf32, #tpu.memory_space<vmem>>) target_semaphore(%run_scoped3A : memref<!tpu.dma_semaphore, #tpu.memory_space<semaphore_mem>>)
        %dma_wait3A_179 = arith.constant 0 : i32
        %dma_wait3A_180 = tpu.memref_slice %arg7[%mul3A_4, %dma_wait3A_179] : memref<256x1024xf32, #tpu.memory_space<hbm>> -> memref<16x1024xf32, #tpu.memory_space<hbm>>
        %dma_wait3A_181 = arith.constant 0 : i32
        %dma_wait3A_182 = tpu.memref_slice %arg7[%mul3A_4, %dma_wait3A_181] : memref<256x1024xf32, #tpu.memory_space<hbm>> -> memref<16x1024xf32, #tpu.memory_space<hbm>>
        tpu.wait_dma2 semaphore(%run_scoped3A : memref<!tpu.dma_semaphore, #tpu.memory_space<semaphore_mem>>) src(%dma_wait3A_182 : memref<16x1024xf32, #tpu.memory_space<hbm>>) dst(%arg16 : memref<16x1024xf32, #tpu.memory_space<vmem>>)
        tpu.yield
      }) : () -> ()
      %dma_start3A_163 = arith.constant 0 : i32
      %dma_start3A_164 = arith.constant 0 : i32
      %dma_start3A_165 = tpu.memref_slice %arg8[%dma_start3A_163, %dma_start3A_164] : memref<131072x1024xf32, #tpu.memory_space<hbm>> -> memref<131072x1024xf32, #tpu.memory_space<hbm>>
      tpu.enqueue_indirect_dma source(%arg15 : memref<16x1024xf32, #tpu.memory_space<vmem>>) target(%dma_start3A_165 : memref<131072x1024xf32, #tpu.memory_space<hbm>>) offsets(%add3A_159 : vector<16xi32>) semaphore(%arg17 : memref<!tpu.dma_semaphore, #tpu.memory_space<semaphore_mem>>)
      %dma_wait3A_166 = arith.constant 0 : i32
      %dma_wait3A_167 = arith.constant 0 : i32
      %dma_wait3A_168 = tpu.memref_slice %arg8[%dma_wait3A_166, %dma_wait3A_167] : memref<131072x1024xf32, #tpu.memory_space<hbm>> -> memref<131072x1024xf32, #tpu.memory_space<hbm>>
      tpu.wait_indirect_dma semaphore(%arg17 : memref<!tpu.dma_semaphore, #tpu.memory_space<semaphore_mem>>) src(%arg15 : memref<16x1024xf32, #tpu.memory_space<vmem>>) dst(%dma_wait3A_168 : memref<131072x1024xf32, #tpu.memory_space<hbm>>)
      %dma_start3A_169 = arith.constant 0 : i32
      %dma_start3A_170 = arith.constant 0 : i32
      %dma_start3A_171 = tpu.memref_slice %arg8[%dma_start3A_169, %dma_start3A_170] : memref<131072x1024xf32, #tpu.memory_space<hbm>> -> memref<131072x1024xf32, #tpu.memory_space<hbm>>
      tpu.enqueue_indirect_dma source(%arg16 : memref<16x1024xf32, #tpu.memory_space<vmem>>) target(%dma_start3A_171 : memref<131072x1024xf32, #tpu.memory_space<hbm>>) offsets(%add3A_162 : vector<16xi32>) semaphore(%arg17 : memref<!tpu.dma_semaphore, #tpu.memory_space<semaphore_mem>>)
      %dma_wait3A_172 = arith.constant 0 : i32
      %dma_wait3A_173 = arith.constant 0 : i32
      %dma_wait3A_174 = tpu.memref_slice %arg8[%dma_wait3A_172, %dma_wait3A_173] : memref<131072x1024xf32, #tpu.memory_space<hbm>> -> memref<131072x1024xf32, #tpu.memory_space<hbm>>
      tpu.wait_indirect_dma semaphore(%arg17 : memref<!tpu.dma_semaphore, #tpu.memory_space<semaphore_mem>>) src(%arg16 : memref<16x1024xf32, #tpu.memory_space<vmem>>) dst(%dma_wait3A_174 : memref<131072x1024xf32, #tpu.memory_space<hbm>>)
    } else {
    }
    return
  }
}

module attributes {stable_mosaic.version = 14 : i64} {
  func.func @_copy_body(%arg0: i32, %arg1: memref<64x2x16x8x128xf32, #tpu.memory_space<vmem>>, %arg2: memref<64x2x16x8x128xf32, #tpu.memory_space<vmem>>) attributes {dimension_semantics = [#tpu.dimension_semantics<arbitrary>], iteration_bounds = array<i64: 64>, scalar_prefetch = 0 : i64, scratch_operands = 0 : i64, tpu.core_type = #tpu.core_type<tc>, window_params = [{transform_indices = @transform_0, window_bounds = array<i64: 64, 2, 16, 8, 128>}, {transform_indices = @transform_1, window_bounds = array<i64: 64, 2, 16, 8, 128>}]} {
    %get3A = arith.constant 0 : index
    %get3A_0 = arith.constant 0 : index
    %get3A_1 = arith.constant 0 : index
    %get3A_2 = arith.constant 0 : index
    %get3A_3 = arith.constant 0 : index
    %get3A_4 = vector.load %arg1[%get3A, %get3A_0, %get3A_1, %get3A_2, %get3A_3] : memref<64x2x16x8x128xf32, #tpu.memory_space<vmem>>, vector<64x2x16x8x128xf32>
    %swap3A = arith.constant 0 : index
    %swap3A_5 = arith.constant 0 : index
    %swap3A_6 = arith.constant 0 : index
    %swap3A_7 = arith.constant 0 : index
    %swap3A_8 = arith.constant 0 : index
    %swap3A_9 = vector.load %arg2[%swap3A, %swap3A_5, %swap3A_6, %swap3A_7, %swap3A_8] : memref<64x2x16x8x128xf32, #tpu.memory_space<vmem>>, vector<64x2x16x8x128xf32>
    tpu.vector_store %arg2[%swap3A, %swap3A_5, %swap3A_6, %swap3A_7, %swap3A_8], %get3A_4 {strides = array<i32>} : memref<64x2x16x8x128xf32, #tpu.memory_space<vmem>>, vector<64x2x16x8x128xf32>,
    return
  }
  func.func @transform_0(%arg0: i32) -> (i32, i32, i32, i32, i32) {
    %c0_i32 = arith.constant 0 : i32
    %c0_i32_0 = arith.constant 0 : i32
    %c0_i32_1 = arith.constant 0 : i32
    %c0_i32_2 = arith.constant 0 : i32
    %c0_i32_3 = arith.constant 0 : i32
    return %arg0, %c0_i32, %c0_i32_0, %c0_i32_1, %c0_i32_2 : i32, i32, i32, i32, i32
  }
  func.func @transform_1(%arg0: i32) -> (i32, i32, i32, i32, i32) {
    %c0_i32 = arith.constant 0 : i32
    %c0_i32_0 = arith.constant 0 : i32
    %c0_i32_1 = arith.constant 0 : i32
    %c0_i32_2 = arith.constant 0 : i32
    %c0_i32_3 = arith.constant 0 : i32
    return %arg0, %c0_i32, %c0_i32_0, %c0_i32_1, %c0_i32_2 : i32, i32, i32, i32, i32
  }
}

</mosaic_0001>

<sc_bundles>
// kernel: kernel.4.cloned.1.call-start
scs
__scs_entry_jumppad:
0x0: {  	(pc) =	sbr.rel $0x88, $3  }
0x1: {  	(tag) =	ssettag $0x0;
	lr =	simm.s32 $0x1  }
0x2: {  	[smem:$0x3F9A] =	sst lr;
	_ =	strace $0xD0000000  }
0x3: {  	_ = 	snop  }
0x4: {  	_ = 	snop  }
0x5: {  	_ = 	snop  }
0x6: {  	_ = 	snop  }
0x7: {  	_ = 	snop  }
__scs_overlays_trampoline_lowered:
0x8: {  	[smem:$0x3FA9] =	sst s0  }
0x9: {  	[smem:$0x3FAA] =	sst s1  }
0xa: {  	[smem:$0x3FAB] =	sst s2  }
0xb: {  	[smem:$0x3FAC] =	sst s3  }
0xc: {  	[smem:$0x3FAD] =	sst s4  }
0xd: {  	[smem:$0x3FAE] =	sst s5  }
0xe: {  	[smem:$0x3FAF] =	sst s6  }
0xf: {  	[smem:$0x3FB0] =	sst s7  }
0x10: {  	[smem:$0x3FB1] =	sst s8  }
0x11: {  	[smem:$0x3FB2] =	sst s9;
	s0 =	simm.s32 @!p0 $0x0  }
0x12: {  	s1 =	sld [smem:$0x3F98];
	s0 =	simm.s32 @p0 $0x1  }
0x13: {  	[smem:$0x3FB3] =	sst s0;
	s0 =	simm.s32 @!p1 $0x0  }
0x14: {  	s2 =	sld [smem:$0x3F97];
	s0 =	simm.s32 @p1 $0x1  }
0x15: {  	[smem:$0x3FB4] =	sst s0;
	s0 =	simm.s32 @!p2 $0x0  }
0x16: {  	s3 =	sld [smem:$0x3FDB];
	s0 =	simm.s32 @p2 $0x1  }
0x17: {  	s4 =	simm.s32 $0x1BF5;
	[smem:$0x3FB6] =	sst s0  }
0x18: {  	s0 =	sld [smem:$0x3F99];
	_ =	swait.ge [sflag:s4], $0x0  }
0x19: {  	s7 =	sld [smem:$0x3F9A]  }
0x1a: {  	s8 =	sadd.s32 $0xFFFFE003, lr  }
0x1b: {  	s9 =	sadd.s32 $0xFFFFFEF7, lr;
	s5 =	simm.s32 $0xFFFFFFFF;
	p2 =	slt.u32 s8, $0xFFFFF086  }
0x1c: {  	p1 =	slt.u32 s9, $0xF7A;
	s5 =	simm.s32 @!p2 $0x0  }
0x1d: {  	s5 =	simm.s32 @p1 $0x1;
	p0 =	seq.s32 s7, s2  }
0x1e: {  	s7 =	smul.u32 @!p0 $0xF7A, s2;
	p2 =	seq.s32 @!p0 s5, $0x0  }
0x1f: {  	s9 =	smul.u32 $0xF7A, s1;
	s8 =	simm.s32 @!p0 $0x1BF5;
	p2 =	por !p2, p0  }
0x20: {  	[sflag:s8] =	ssyncset.s32 @!p0 $0xFFFFF086;
	s6 =	sadd.s32 @!p0 s3, s7;
	s7 =	simm.s32 @!p0 $0x108  }
0x21: {  	s3 =	sadd.s32 s3, s9;
	s6 =	sadd.s32 @!p0 $0x88, s6;
	s7 =	simm.s32 @p2 $0x1082  }
0x22: {  	[simem:s7], [sflag:s8] =	dma.local @!p0 [hbm:s6], $0xF7A  }
0x23: {  	s9 =	sor.u32 $0xD0000000, s2;
	s6 =	simm.s32 $0x108;
	_ =	swait.ge @!p0 [sflag:s8], $0x0  }
0x24: {  	s3 =	sadd.s32 $0x88, s3;
	s6 =	simm.s32 @!p1 $0x1082;
	[sflag:s4] =	ssyncset.s32 $0xFFFFF086  }
0x25: {  	[simem:s6], [sflag:s4] =	dma.local [hbm:s3], $0xF7A  }
0x26: {  	[smem:$0x3F9A] =	sst s1;
	(tag) =	ssettag s2;
	_ =	strace s9  }
0x27: {  	s1 =	sld [smem:$0x3FAA]  }
0x28: {  	s2 =	sld [smem:$0x3FAB]  }
0x29: {  	s4 =	sld [smem:$0x3FAD]  }
0x2a: {  	p0 =	seq.s32 s5, $0x0;
	s5 =	sld [smem:$0x3FAE]  }
0x2b: {  	s6 =	sld [smem:$0x3FAF]  }
0x2c: {  	s7 =	sld [smem:$0x3FB0]  }
0x2d: {  	s3 =	simm.s32 $0x108;
	s8 =	sld [smem:$0x3FB1]  }
0x2e: {  	s3 =	simm.s32 @!p0 $0x1082;
	s9 =	sld [smem:$0x3FB2]  }
0x2f: {  	lr =	sadd.s32 s0, s3;
	s0 =	sld [smem:$0x3FA9]  }
0x30: {  	s3 =	sld [smem:$0x3FAC]  }
0x31: {  	[smem:$0x3FB5] =	sst s10  }
0x32: {  	s10 =	sld [smem:$0x3FB3];
	_ =	sdelay $0x3  }
0x33: {  	p0 =	seq.s32 s10, $0x1;
	s10 =	sld [smem:$0x3FB5];
	_ =	sdelay $0x3  }
0x34: {  	[smem:$0x3FB5] =	sst s10  }
0x35: {  	s10 =	sld [smem:$0x3FB4];
	_ =	sdelay $0x3  }
0x36: {  	p1 =	seq.s32 s10, $0x1;
	s10 =	sld [smem:$0x3FB5];
	_ =	sdelay $0x3  }
0x37: {  	[smem:$0x3FB5] =	sst s10  }
0x38: {  	s10 =	sld [smem:$0x3FB6]  }
0x39: {  	_ = 	snop;
	(pc) =	sbr.ind lr, $3  }
0x3a: {  	_ = 	snop  }
0x3b: {  	_ = 	snop  }
0x3c: {  	p2 =	seq.s32 s10, $0x1;
	s10 =	sld [smem:$0x3FB5]  }
0x3d: {  	_ =	shalt  }
0x3e: {  	_ =	shalt  }
0x3f: {  	_ =	shalt  }
0x40: {  	_ =	shalt  }
0x41: {  	_ =	shalt  }
0x42: {  	_ =	shalt  }
0x43: {  	_ =	shalt  }
0x44: {  	_ =	shalt  }
0x45: {  	_ =	shalt  }
0x46: {  	_ =	shalt  }
0x47: {  	_ =	shalt  }
0x48: {  	_ =	shalt  }
0x49: {  	_ =	shalt  }
0x4a: {  	_ =	shalt  }
0x4b: {  	_ =	shalt  }
0x4c: {  	_ =	shalt  }
0x4d: {  	_ =	shalt  }
0x4e: {  	_ =	shalt  }
0x4f: {  	_ =	shalt  }
0x50: {  	_ =	shalt  }
0x51: {  	_ =	shalt  }
0x52: {  	_ =	shalt  }
0x53: {  	_ =	shalt  }
0x54: {  	_ =	shalt  }
0x55: {  	_ =	shalt  }
0x56: {  	_ =	shalt  }
0x57: {  	_ =	shalt  }
0x58: {  	_ =	shalt  }
0x59: {  	_ =	shalt  }
0x5a: {  	_ =	shalt  }
0x5b: {  	_ =	shalt  }
0x5c: {  	_ =	shalt  }
0x5d: {  	_ =	shalt  }
0x5e: {  	_ =	shalt  }
0x5f: {  	_ =	shalt  }
0x60: {  	_ =	shalt  }
0x61: {  	_ =	shalt  }
0x62: {  	_ =	shalt  }
0x63: {  	_ =	shalt  }
0x64: {  	_ =	shalt  }
0x65: {  	_ =	shalt  }
0x66: {  	_ =	shalt  }
0x67: {  	_ =	shalt  }
0x68: {  	_ =	shalt  }
0x69: {  	_ =	shalt  }
0x6a: {  	_ =	shalt  }
0x6b: {  	_ =	shalt  }
0x6c: {  	_ =	shalt  }
0x6d: {  	_ =	shalt  }
0x6e: {  	_ =	shalt  }
0x6f: {  	_ =	shalt  }
0x70: {  	_ =	shalt  }
0x71: {  	_ =	shalt  }
0x72: {  	_ =	shalt  }
0x73: {  	_ =	shalt  }
0x74: {  	_ =	shalt  }
0x75: {  	_ =	shalt  }
0x76: {  	_ =	shalt  }
0x77: {  	_ =	shalt  }
0x78: {  	_ =	shalt  }
0x79: {  	_ =	shalt  }
0x7a: {  	_ =	shalt  }
0x7b: {  	_ =	shalt  }
0x7c: {  	_ =	shalt  }
0x7d: {  	_ =	shalt  }
0x7e: {  	_ =	shalt  }
0x7f: {  	_ =	shalt  }
0x80: {  	_ =	shalt  }
0x81: {  	_ =	shalt  }
0x82: {  	_ =	shalt  }
0x83: {  	_ =	shalt  }
0x84: {  	_ =	shalt  }
0x85: {  	_ =	shalt  }
0x86: {  	_ =	shalt  }
0x87: {  	_ =	shalt  }
.Lfunc_end0:
.L_simem_size_0:
called_computation.2_lowered:
.L_overlay_start_0:
0x88: {  	s2 =	sld [smem:$0x3FD9]  }
0x89: {  	s3 =	sld [smem:$0x3FFE];
	_ =	sdelay $0x1  }
0x8a: {  	s1 =	srdreg.scid  }
0x8b: {  	s0 =	sand.u32 $0x1, s1  }
0x8c: {  	s17 =	sshll.u32 s0, $0xA;
	s2 =	sadd.s32 s3, s2  }
0x8d: {  	s2 =	sadd.s32 s2, s17  }
0x8e: {  	[smem:$0x3FC1] =	sst s2  }
0x8f: {  	_ = 	snop  }
0x90: {  	s2 =	sld [smem:$0x3FC6]  }
0x91: {  	s18 =	sld [smem:$0x3FC5]  }
0x92: {  	s4 =	sld [smem:$0x3FC4]  }
0x93: {  	s5 =	sld [smem:$0x3FC3];
	(tm) =	ssettm $0x1  }
0x94: {  	s6 =	sld [smem:$0x3FFB];
	_ =	sdelay $0x3  }
0x95: {  	_ =	strace s6  }
0x96: {  	s6 =	sld [smem:$0x3FFC];
	_ =	sdelay $0x3  }
0x97: {  	_ =	strace s6  }
0x98: {  	s6 =	sld [smem:$0x3FFD];
	_ =	sdelay $0x3  }
0x99: {  	_ =	strace s6  }
0x9a: {  	_ =	strace $0x8FFFFFFF  }
0x9b: {  	s19 =	sld [smem:$0x3FDB];
	_ =	sdelay $0x1  }
0x9c: {  	s7 =	simm.s32 $_scs_section_size  }
0x9d: {  	s8 =	simm.s32 $_size__tile_overlayer_lowered;
	s9 =	simm.s32 $_tile_overlayer_lowered  }
0x9e: {  	s22 =	simm.s32 $0x1BFF;
	s21 =	sshll.u32 s9, $0x1;
	s6 =	sadd.s32 s7, s19  }
0x9f: {  	s10 =	simm.s32 $0x0;
	s20 =	sshll.u32 s8, $0x1;
	s8 =	sadd.s32 s21, s6  }
0xa0: {  	[timem:s10], [sflag:s22] =	dma.local [hbm:s8], s20  }
0xa1: {  	_ =	swait.ge [sflag:s22], s20  }
0xa2: {  	s7 =	ssub.s32 $0x0, s20;
	[sflag:s22] =	ssyncset.done $0x0  }
0xa3: {  	[sflag:s22] =	ssyncadd.s32 s7;
	_ =	sdelay $0x1  }
0xa4: {  	s23 =	simm.s32 $0x1B8B  }
0xa5: {  	_ =	swait.ge [sflag:s23], $0x1  }
0xa6: {  	[sflag:s23] =	ssyncset.done $0x0  }
0xa7: {  	s25 =	simm.s32 $0x1B8E;
	s24 =	sld [smem:$0x3FFE];
	[sflag:s23] =	ssyncadd.s32 $0xFFFFFFFF  }
0xa8: {  	s26 =	simm.s32 $execute0_lowered;
	[smem:$0x3FD2] =	sst s25  }
0xa9: {  	s8 =	sshll.u32 s26, $0x1;
	_ =	strace $0x80000049;
	[dreg:$0x1] =	wrdreg $0xFFFFFFFF  }
0xaa: {  	s28 =	simm.s32 $_size_execute0_lowered;
	s6 =	sadd.s32 s6, s8;
	[dreg:$0x0] =	wrdreg $0x0  }
0xab: {  	s8 =	sshll.u32 s28, $0x1;
	[dreg:$0x2] =	wrdreg s6  }
0xac: {  	[dreg:$0x3] =	wrdreg s8  }
0xad: {  	[dreg:$0x4] =	wrdreg $0xC0  }
0xae: {  	_ =	task [dreg:s10], $0x5FFFF  }
0xaf: {  	[dreg:$0x1] =	wrdreg $0xFFFFFFFF  }
0xb0: {  	[dreg:$0x0] =	wrdreg $0x60  }
0xb1: {  	[dreg:$0x2] =	wrdreg s2  }
0xb2: {  	[dreg:$0x3] =	wrdreg s18  }
0xb3: {  	[dreg:$0x4] =	wrdreg s4  }
0xb4: {  	[dreg:$0x5] =	wrdreg s5  }
0xb5: {  	[dreg:$0x6] =	wrdreg s24  }
0xb6: {  	[dreg:$0x7] =	wrdreg $0x9  }
0xb7: {  	_ =	task.clear_ibuf [dreg:s10], $0x8FFFF;
	_ =	strace $0x90000049  }
0xb8: {  	s29 =	simm.s32 $0x9;
	_ =	strace $0x8000004B  }
0xb9: {  	_ =	swait.ge [sflag:s29], $0x1  }
0xba: {  	[sflag:s29] =	ssyncadd.s32 $0xFFFFFFFF  }
0xbb: {  	_ =	strace $0x9000004B  }
0xbc: {  	_ =	sfence  }
0xbd: {  	s30 =	sld [smem:$0x0];
	_ =	sdelay $0x2  }
0xbe: {  	s31 =	sshll.u32 s1, $0xD;
	s1 =	sshrl.u32 s1, $0x2  }
0xbf: {  	s3 =	sand.u32 $0x4000, s31;
	s1 =	sadd.s32 s1, s30  }
0xc0: {  	s0 =	sor.u32 s3, s0;
	s1 =	sshll.u32 s1, $0x11  }
0xc1: {  	s0 =	sor.u32 s1, s0  }
0xc2: {  	s0 =	sadd.s32 $0x8F2B, s0  }
0xc3: {  	[sflag:s0] =	ssyncadd.remote.s32 $0x1  }
0xc4: {  	_ =	sfence.sel $0xFFFF  }
0xc5: {  	[dreg:$0x0] =	wrdreg $0xFFFFFFFF;
	(pc) =	sbr.abs _section_cstart, $3  }
0xc6: {  	[dreg:$0x1] =	wrdreg $0xFFFFFFFF  }
0xc7: {  	_ =	task.clear_ibuf [dreg:s10], $0x2FFFF;
	_ =	strace $0x9FFFFFFF  }
0xc8: {  	(tm) =	ssettm $0x7FFFFFFF  }
0xc9: {  	_ =	shalt  }
tec
execute0_lowered:
.L_overlay_start_1:
0x0: {  	(tag) =	ssettag $0x1  }
0x1: {  	s0 =	rddreg [dreg:$0x0]  }
0x2: {  	s1 =	rddreg [dreg:$0x1];
	s3 =	stileid.u32  }
0x3: {  	s2 =	rddreg [dreg:$0x2];
	p0 =	sgt.u32 s3, $0x7  }
.Ltmp0:
0x4: {  	s31 =	rddreg [dreg:$0x3];
	(pc) =	sbr.rel @p0 .LBB2_3-.Ltmp0, $4  }
0x5: {  	[dreg:$0x6] =	wrdreg s1  }
0x6: {  	s4 =	simm.s32 $0x0;
	[dreg:$0x7] =	wrdreg s31  }
0x7: {  	[smem:$0x7FF] =	sst s4  }
0x8: {  	s1 =	rddreg [dreg:$0x4];
	_ =	strace $0x8000004A  }
0x9: {  	s5 =	srdreg.scid  }
0xa: {  	s3 =	stileid.u32;
	s25 =	simm.s32 $0x80;
	s11 =	simm.s32 $0x1  }
0xb: {  	s26 =	simm.s32 $0x100;
	s12 =	simm.s32 $0x180;
	s13 =	simm.s32 $0x200  }
0xc: {  	s14 =	simm.s32 $0x280;
	s15 =	simm.s32 $0x380;
	s16 =	simm.s32 $0x2  }
0xd: {  	s17 =	simm.s32 $0x4380;
	s18 =	simm.s32 $0xB80;
	s19 =	simm.s32 $0x1380  }
0xe: {  	s28 =	simm.s32 $0x5B80;
	s29 =	simm.s32 $0x6380;
	s30 =	simm.s32 $0x6B80  }
0xf: {  	s31 =	simm.s32 $0x7380;
	s6 =	sand.u32 $0x1, s5;
	[dreg:$0xa] =	wrdreg s25  }
0x10: {  	s20 =	sshll.u32 s3, $0x1;
	[dreg:$0xb] =	wrdreg s26;
	s25 =	simm.s32 $0x4B80  }
0x11: {  	s26 =	simm.s32 $0x5380;
	s7 =	sor.u32 s6, s20;
	s9 =	ssub.s32 $0x2, s6  }
0x12: {  	s6 =	sadd.s32 $0x1300, s1;
	s20 =	simm.s32 $0x1B80;
	s5 =	sshll.u32 s7, $0xB  }
0x13: {  	s23 =	sshll.u32 s7, $0x4;
	s10 =	sshrl.u32 s9, $0x1;
	s7 =	sadd.s32 $0x1400, s1  }
0x14: {  	v4 =	vlaneseq.u32;
	v1 =	vimm.s32 $0x8;
	s8 =	sadd.s32 s5, s1;
	s5 =	sadd.s32 $0x1200, s1;
	s24 =	ssub.s32 s9, s10  }
0x15: {  	s10 =	simm.s32 $0x300;
	v0 =	vor.u32 s23, v4;
	s23 =	simm.s32 $0x3380;
	s21 =	sadd.s32 $0x1009200, s8  }
0x16: {  	s22 =	sadd.s32 $0x1001200, s8;
	s8 =	sadd.s32 $0x1500, s1;
	s9 =	smax.u32 s24, $0x1  }
0x17: {  	vm0 =	vmmov $0xffff;
	v3 =	vshrl.u32 v4, $0x3;
	s24 =	simm.s32 $0x3B80;
	s1 =	simm.s32 $0x7B80;
	[dreg:$0x8] =	wrdreg s21  }
0x18: {  	v2 =	vand.u32 $0x7, v4;
	v3 =	vmul.u32 $0x8, v3;
	v4 =	vor.u32 $0x8, v4;
	[dreg:$0x9] =	wrdreg s22;
	s21 =	simm.s32 $0x2380;
	s22 =	simm.s32 $0x2B80  }
.LBB2_2:
0x19: {  	[tilespmem:s10], [sflag:$0x1] =	stream.indirect_vreg.gather [hbm4b:s0+s4], $0x1, v1, vm0, $0xb8;
	[tilespmem:$0x8380] =	vst v63  }
0x1a: {  	_ =	swait.ge [sflag:s11], $0x10  }
0x1b: {  	[sflag:s11] =	ssyncset.done $0x0  }
0x1c: {  	[sflag:s11] =	ssyncadd.s32 $0xFFFFFFF0  }
0x1d: {  	v5 =	vld [tilespmem:$0x300];
	_ =	sdelay $0x4  }
0x1e: {  	vm1 =	vgt.s32 v5, v0  }
0x1f: {  	v5 =	vsel vm1, $0x0, v1  }
0x20: {  	v6 =	vor.u32 $0x4, v5;
	_ =	sdelay $0x4  }
0x21: {  	[tilespmem:s10], [sflag:$0x1] =	stream.indirect_vreg.gather [hbm4b:s0+s4], $0x1, v6, vm0, $0xb8;
	[tilespmem:$0x8380] =	vst v63  }
0x22: {  	_ =	swait.ge [sflag:s11], $0x10  }
0x23: {  	[sflag:s11] =	ssyncset.done $0x0  }
0x24: {  	[sflag:s11] =	ssyncadd.s32 $0xFFFFFFF0  }
0x25: {  	v7 =	vld [tilespmem:$0x300];
	_ =	sdelay $0x4  }
0x26: {  	vm1 =	vgt.s32 v7, v0  }
0x27: {  	v5 =	vsel vm1, v5, v6  }
0x28: {  	v6 =	vor.u32 $0x2, v5;
	_ =	sdelay $0x4  }
0x29: {  	[tilespmem:s10], [sflag:$0x1] =	stream.indirect_vreg.gather [hbm4b:s0+s4], $0x1, v6, vm0, $0xb8;
	[tilespmem:$0x8380] =	vst v63  }
0x2a: {  	_ =	swait.ge [sflag:s11], $0x10  }
0x2b: {  	[sflag:s11] =	ssyncset.done $0x0  }
0x2c: {  	[sflag:s11] =	ssyncadd.s32 $0xFFFFFFF0  }
0x2d: {  	v7 =	vld [tilespmem:$0x300];
	_ =	sdelay $0x4  }
0x2e: {  	vm1 =	vgt.s32 v7, v0  }
0x2f: {  	v5 =	vsel vm1, v5, v6  }
0x30: {  	v6 =	vor.u32 $0x1, v5;
	_ =	sdelay $0x4  }
0x31: {  	[tilespmem:s10], [sflag:$0x1] =	stream.indirect_vreg.gather [hbm4b:s0+s4], $0x1, v6, vm0, $0xb8;
	[tilespmem:$0x8380] =	vst v63  }
0x32: {  	_ =	swait.ge [sflag:s11], $0x10  }
0x33: {  	[sflag:s11] =	ssyncset.done $0x0  }
0x34: {  	[sflag:s11] =	ssyncadd.s32 $0xFFFFFFF0  }
0x35: {  	v7 =	vld [tilespmem:$0x300];
	_ =	sdelay $0x4  }
0x36: {  	vm1 =	vgt.s32 v7, v0  }
0x37: {  	v5 =	vsel vm1, v5, v6;
	_ =	sdelay $0x3  }
0x38: {  	v6 =	vadd.s32 $0x1, v5  }
0x39: {  	[tilespmem:s4], [sflag:$0x1] =	stream.indirect_vreg.gather [hbm4b:s0+s4], $0x1, v5, vm0, $0xb8;
	[tilespmem:$0x8380] =	vst v63  }
0x3a: {  	_ =	swait.ge [sflag:s11], $0x10  }
0x3b: {  	[sflag:s11] =	ssyncset.done $0x0  }
0x3c: {  	s3 =	rddreg [dreg:$0xa];
	[sflag:s11] =	ssyncadd.s32 $0xFFFFFFF0  }
0x3d: {  	[tilespmem:s3], [sflag:$0x1] =	stream.indirect_vreg.gather [hbm4b:s0+s4], $0x1, v6, vm0, $0xb8;
	[tilespmem:$0x8380] =	vst v63  }
0x3e: {  	_ =	swait.ge [sflag:s11], $0x10  }
0x3f: {  	[sflag:s11] =	ssyncset.done $0x0  }
0x40: {  	s3 =	rddreg [dreg:$0xb];
	[sflag:s11] =	ssyncadd.s32 $0xFFFFFFF0  }
0x41: {  	[tilespmem:s3], [sflag:$0x1] =	stream.indirect_vreg.gather [hbm4b:s2+s4], $0x1, v5, vm0, $0xb8;
	[tilespmem:$0x8380] =	vst v63  }
0x42: {  	_ =	swait.ge [sflag:s11], $0x10  }
0x43: {  	[sflag:s11] =	ssyncset.done $0x0  }
0x44: {  	[sflag:s11] =	ssyncadd.s32 $0xFFFFFFF0  }
0x45: {  	[tilespmem:s12], [sflag:$0x1] =	stream.indirect_vreg.gather [hbm4b:s2+s4], $0x1, v6, vm0, $0xb8;
	[tilespmem:$0x8380] =	vst v63  }
0x46: {  	_ =	swait.ge [sflag:s11], $0x10  }
0x47: {  	[sflag:s11] =	ssyncset.done $0x0  }
0x48: {  	s3 =	rddreg [dreg:$0x7];
	[sflag:s11] =	ssyncadd.s32 $0xFFFFFFF0  }
0x49: {  	[tilespmem:s13], [sflag:$0x1] =	stream.indirect_vreg.gather [hbm4b:s3+s4], $0x1, v5, vm0, $0xb8;
	[tilespmem:$0x8380] =	vst v63  }
0x4a: {  	_ =	swait.ge [sflag:s11], $0x10  }
0x4b: {  	[sflag:s11] =	ssyncset.done $0x0  }
0x4c: {  	[sflag:s11] =	ssyncadd.s32 $0xFFFFFFF0  }
0x4d: {  	v5 =	vld [tilespmem:$0x80]  }
0x4e: {  	v6 =	vld [tilespmem:$0x100]  }
0x4f: {  	v7 =	vld [tilespmem:$0x180]  }
0x50: {  	v8 =	vld [tilespmem:$0x200];
	_ =	sdelay $0x2  }
0x51: {  	v9 =	vxor.u32 $0xFFFFFFFF, v6  }
0x52: {  	v5 =	vsub.s32 v0, v5;
	v7 =	vadd.s32 v9, v7  }
0x53: {  	v5 =	vadd.s32 v8, v5;
	v7 =	vshll.u32 v7, $0x4  }
0x54: {  	v7 =	vadd.s32 v7, v5  }
0x55: {  	v7 =	vshra.s32 v7, $0x4  }
0x56: {  	v6 =	vadd.s32 v6, v7;
	_ =	sdelay $0x3  }
0x57: {  	s3 =	rddreg [dreg:$0x6]  }
0x58: {  	[tilespmem:s14], [sflag:$0x1] =	stream.indirect_vreg.gather [hbm4b:s3+s4], $0x1, v6, vm0, $0xb8;
	[tilespmem:$0x8380] =	vst v63  }
0x59: {  	_ =	swait.ge [sflag:s11], $0x10  }
0x5a: {  	[sflag:s11] =	ssyncset.done $0x0  }
0x5b: {  	[sflag:s11] =	ssyncadd.s32 $0xFFFFFFF0  }
0x5c: {  	v6 =	vld [tilespmem:$0x280];
	_ =	sdelay $0x3  }
0x5d: {  	v7 =	vshll.u32 v5, $0x3  }
0x5e: {  	v7 =	vand.u32 $0x40, v7;
	v6 =	vshll.u32 v6, $0x8  }
0x5f: {  	v5 =	vand.u32 $0x7, v5;
	s3 =	rddreg [dreg:$0x8];
	v6 =	vor.u32 v7, v6  }
0x60: {  	[tilespmem:s15], [sflag:$0x2] =	stream.linear.gather [hbm4b:s3+s4], $0x4000, $0x38;
	v5 =	vor.u32 v5, v6;
	[tilespmem:$0x8380] =	vst v63  }
0x61: {  	_ =	swait.ge [sflag:s16], $0x4000;
	v6 =	vperm.xlane v5, v2  }
0x62: {  	[sflag:s16] =	ssyncset.done $0x0  }
0x63: {  	s3 =	rddreg [dreg:$0x9];
	[sflag:s16] =	ssyncadd.s32 $0xFFFFC000;
	v6 =	vadd.s32 v3, v6  }
0x64: {  	[tilespmem:s17], [sflag:$0x2] =	stream.linear.gather [hbm4b:s3+s4], $0x4000, $0x38;
	[tilespmem:$0x8380] =	vst v63  }
0x65: {  	_ =	swait.ge [sflag:s16], $0x4000  }
0x66: {  	[sflag:s16] =	ssyncset.done $0x0  }
0x67: {  	[sflag:s16] =	ssyncadd.s32 $0xFFFFC000  }
0x68: {  	[hbm4b:s5+s4] =	stream.indirect_vreg.scatter [tilespmem:s15], [sflag:$0x1], $0x80, v6, vm0, $0xb8;
	[tilespmem:$0x8380] =	vst v63  }
0x69: {  	v7 =	vperm.xlane v5, v4  }
0x6a: {  	[hbm4b:s6+s4] =	stream.indirect_vreg.scatter [tilespmem:s18], [sflag:$0x1], $0x80, v6, vm0, $0xb8;
	[tilespmem:$0x8380] =	vst v63  }
0x6b: {  	v7 =	vadd.s32 v3, v7  }
0x6c: {  	[hbm4b:s7+s4] =	stream.indirect_vreg.scatter [tilespmem:s19], [sflag:$0x1], $0x80, v6, vm0, $0xb8;
	[tilespmem:$0x8380] =	vst v63  }
0x6d: {  	_ = 	snop  }
0x6e: {  	[hbm4b:s8+s4] =	stream.indirect_vreg.scatter [tilespmem:s20], [sflag:$0x1], $0x80, v6, vm0, $0xb8;
	[tilespmem:$0x8380] =	vst v63  }
0x6f: {  	_ = 	snop  }
0x70: {  	[hbm4b:s5+s4] =	stream.indirect_vreg.scatter [tilespmem:s21], [sflag:$0x1], $0x80, v7, vm0, $0xb8;
	[tilespmem:$0x8380] =	vst v63  }
0x71: {  	_ = 	snop  }
0x72: {  	v5 =	vor.u32 $0x80, v5;
	[hbm4b:s6+s4] =	stream.indirect_vreg.scatter [tilespmem:s22], [sflag:$0x1], $0x80, v7, vm0, $0xb8;
	[tilespmem:$0x8380] =	vst v63  }
0x73: {  	v6 =	vperm.xlane v5, v2  }
0x74: {  	[hbm4b:s7+s4] =	stream.indirect_vreg.scatter [tilespmem:s23], [sflag:$0x1], $0x80, v7, vm0, $0xb8;
	[tilespmem:$0x8380] =	vst v63  }
0x75: {  	v6 =	vadd.s32 v3, v6  }
0x76: {  	[hbm4b:s8+s4] =	stream.indirect_vreg.scatter [tilespmem:s24], [sflag:$0x1], $0x80, v7, vm0, $0xb8;
	[tilespmem:$0x8380] =	vst v63  }
0x77: {  	_ =	swait.ge [sflag:s11], $0x4000  }
0x78: {  	[sflag:s11] =	ssyncset.done $0x0  }
0x79: {  	[sflag:s11] =	ssyncadd.s32 $0xFFFFC000  }
0x7a: {  	[hbm4b:s5+s4] =	stream.indirect_vreg.scatter [tilespmem:s17], [sflag:$0x1], $0x80, v6, vm0, $0xb8;
	[tilespmem:$0x8380] =	vst v63  }
0x7b: {  	v5 =	vperm.xlane v5, v4  }
0x7c: {  	[hbm4b:s6+s4] =	stream.indirect_vreg.scatter [tilespmem:s25], [sflag:$0x1], $0x80, v6, vm0, $0xb8;
	[tilespmem:$0x8380] =	vst v63  }
0x7d: {  	v5 =	vadd.s32 v3, v5  }
0x7e: {  	[hbm4b:s7+s4] =	stream.indirect_vreg.scatter [tilespmem:s26], [sflag:$0x1], $0x80, v6, vm0, $0xb8;
	[tilespmem:$0x8380] =	vst v63  }
0x7f: {  	_ = 	snop  }
0x80: {  	[hbm4b:s8+s4] =	stream.indirect_vreg.scatter [tilespmem:s28], [sflag:$0x1], $0x80, v6, vm0, $0xb8;
	[tilespmem:$0x8380] =	vst v63  }
0x81: {  	_ = 	snop  }
0x82: {  	[hbm4b:s5+s4] =	stream.indirect_vreg.scatter [tilespmem:s29], [sflag:$0x1], $0x80, v5, vm0, $0xb8;
	[tilespmem:$0x8380] =	vst v63  }
0x83: {  	_ = 	snop  }
0x84: {  	[hbm4b:s6+s4] =	stream.indirect_vreg.scatter [tilespmem:s30], [sflag:$0x1], $0x80, v5, vm0, $0xb8;
	[tilespmem:$0x8380] =	vst v63  }
0x85: {  	p0 =	sne.s32 s9, $0x1  }
0x86: {  	[hbm4b:s7+s4] =	stream.indirect_vreg.scatter [tilespmem:s31], [sflag:$0x1], $0x80, v5, vm0, $0xb8;
	[tilespmem:$0x8380] =	vst v63  }
.Ltmp1:
0x87: {  	_ = 	snop;
	(pc) =	sbr.rel @p0 .LBB2_2-.Ltmp1, $4  }
0x88: {  	[hbm4b:s8+s4] =	stream.indirect_vreg.scatter [tilespmem:s1], [sflag:$0x1], $0x80, v5, vm0, $0xb8;
	[tilespmem:$0x8380] =	vst v63  }
0x89: {  	_ =	swait.ge [sflag:s11], $0x4000  }
0x8a: {  	[sflag:s11] =	ssyncset.done $0x0  }
0x8b: {  	s9 =	sadd.s32 $0xFFFFFFFF, s9;
	[sflag:s11] =	ssyncadd.s32 $0xFFFFC000  }
.LBB2_3:
0x8c: {  	_ =	sfence.sel $0x180000  }
0x8d: {  	[bflag:$0x0] =	sbarrier.arrive $0xFFFF  }
0x8e: {  	_ =	strace $0x9000004A  }
0x8f: {  	s0 =	stileid.u32;
	[bflag:$0x2] =	sbarrier.arrive $0xFFFF  }
0x90: {  	p0 =	sne.s32 s0, $0x0;
	s0 =	rddreg [dreg:$0x5]  }
0x91: {  	s0 =	sadd.s32 @!p0 $0x100000, s0  }
0x92: {  	[sflag:s0] =	ssyncadd.tile.s32 @!p0 $0x1;
	_ =	shalt  }
.Lfunc_end2:
_tile_overlayer_lowered:
.L_overlay_start_2:
0x93: {  	(tag) =	ssettag $0x2  }
0x94: {  	s0 =	rddreg [dreg:$0x0];
	s2 =	stileid.u32  }
0x95: {  	s1 =	rddreg [dreg:$0x1];
	p0 =	sne.s32 s2, $0x0  }
0x96: {  	s3 =	rddreg [dreg:$0x2];
	[bflag:$0x3] =	sbarrier.arrive $0xFFFF;
	s2 =	simm.s32 @!p0 $0x1C02  }
0x97: {  	[timem:s3], [sflag:s2] =	dma.local @!p0 [hbm:s0], s1  }
0x98: {  	s0 =	simm.s32 @!p0 $0x2  }
0x99: {  	_ =	swait.ge @!p0 [sflag:s0], s1  }
0x9a: {  	s1 =	ssub.s32 @!p0 $0x0, s1;
	[sflag:s0] =	ssyncset.done @!p0 $0x0  }
0x9b: {  	[sflag:s0] =	ssyncadd.s32 @!p0 s1  }
0x9c: {  	[bflag:$0x3] =	sbarrier.arrive $0xFFFF  }
0x9d: {  	_ =	shalt  }

// kernel: sparse-core-data-format-call.1.cloned.1.call-start
scs
called_computation.1_lowered:
.L_overlay_start_0:
0x0: {  	s2 =	sld [smem:$0x3FD9]  }
0x1: {  	s3 =	sld [smem:$0x3FFE];
	_ =	sdelay $0x1  }
0x2: {  	s1 =	srdreg.scid  }
0x3: {  	s0 =	sand.u32 $0x1, s1  }
0x4: {  	s18 =	sshll.u32 s0, $0xA;
	s2 =	sadd.s32 s3, s2  }
0x5: {  	s2 =	sadd.s32 s2, s18  }
0x6: {  	[smem:$0x3FC1] =	sst s2  }
0x7: {  	_ = 	snop  }
0x8: {  	s2 =	sld [smem:$0x3FD0];
	(tm) =	ssettm $0x1  }
0x9: {  	s19 =	sld [smem:$0x3FFB];
	_ =	sdelay $0x3  }
0xa: {  	_ =	strace s19  }
0xb: {  	s3 =	sld [smem:$0x3FFC];
	_ =	sdelay $0x3  }
0xc: {  	_ =	strace s3  }
0xd: {  	s3 =	sld [smem:$0x3FFD];
	_ =	sdelay $0x3  }
0xe: {  	_ =	strace s3  }
0xf: {  	_ =	strace $0x8FFFFFFF  }
0x10: {  	s20 =	sld [smem:$0x3FDB];
	_ =	sdelay $0x1  }
0x11: {  	s4 =	simm.s32 $_scs_section_size  }
0x12: {  	s5 =	simm.s32 $_size__tile_overlayer_lowered;
	s6 =	simm.s32 $_tile_overlayer_lowered  }
0x13: {  	s23 =	simm.s32 $0x1BFF;
	s22 =	sshll.u32 s6, $0x1;
	s3 =	sadd.s32 s4, s20  }
0x14: {  	s7 =	simm.s32 $0x0;
	s21 =	sshll.u32 s5, $0x1;
	s5 =	sadd.s32 s22, s3  }
0x15: {  	[timem:s7], [sflag:s23] =	dma.local [hbm:s5], s21  }
0x16: {  	_ =	swait.ge [sflag:s23], s21  }
0x17: {  	s4 =	ssub.s32 $0x0, s21;
	[sflag:s23] =	ssyncset.done $0x0  }
0x18: {  	[sflag:s23] =	ssyncadd.s32 s4;
	_ =	sdelay $0x1  }
0x19: {  	s24 =	simm.s32 $0x1B8B  }
0x1a: {  	_ =	swait.ge [sflag:s24], $0x1  }
0x1b: {  	[sflag:s24] =	ssyncset.done $0x0  }
0x1c: {  	s26 =	simm.s32 $0x1B8E;
	s25 =	sld [smem:$0x3FFE];
	[sflag:s24] =	ssyncadd.s32 $0xFFFFFFFF  }
0x1d: {  	s27 =	simm.s32 $execute0_lowered;
	[smem:$0x3FD2] =	sst s26  }
0x1e: {  	s5 =	sshll.u32 s27, $0x1;
	_ =	strace $0x80000046;
	[dreg:$0x1] =	wrdreg $0xFFFFFFFF  }
0x1f: {  	s28 =	simm.s32 $_size_execute0_lowered;
	s3 =	sadd.s32 s3, s5;
	[dreg:$0x0] =	wrdreg $0x0  }
0x20: {  	s5 =	sshll.u32 s28, $0x1;
	[dreg:$0x2] =	wrdreg s3  }
0x21: {  	[dreg:$0x3] =	wrdreg s5  }
0x22: {  	[dreg:$0x4] =	wrdreg $0xC0  }
0x23: {  	_ =	task [dreg:s7], $0x5FFFF  }
0x24: {  	[dreg:$0x1] =	wrdreg $0xFFFFFFFF  }
0x25: {  	[dreg:$0x0] =	wrdreg $0x60  }
0x26: {  	[dreg:$0x2] =	wrdreg s2  }
0x27: {  	[dreg:$0x3] =	wrdreg s25  }
0x28: {  	[dreg:$0x4] =	wrdreg $0x9  }
0x29: {  	_ =	task.clear_ibuf [dreg:s7], $0x5FFFF;
	_ =	strace $0x90000046  }
0x2a: {  	s29 =	simm.s32 $0x9;
	_ =	strace $0x80000048  }
0x2b: {  	_ =	swait.ge [sflag:s29], $0x1  }
0x2c: {  	[sflag:s29] =	ssyncadd.s32 $0xFFFFFFFF  }
0x2d: {  	_ =	strace $0x90000048  }
0x2e: {  	_ =	sfence  }
0x2f: {  	s30 =	sld [smem:$0x0];
	_ =	sdelay $0x2  }
0x30: {  	s31 =	sshll.u32 s1, $0xD;
	s1 =	sshrl.u32 s1, $0x2  }
0x31: {  	s3 =	sand.u32 $0x4000, s31;
	s1 =	sadd.s32 s1, s30  }
0x32: {  	s0 =	sor.u32 s3, s0;
	s1 =	sshll.u32 s1, $0x11  }
0x33: {  	s0 =	sor.u32 s1, s0  }
0x34: {  	s0 =	sadd.s32 $0x8F2B, s0  }
0x35: {  	[sflag:s0] =	ssyncadd.remote.s32 $0x1  }
0x36: {  	_ =	sfence.sel $0xFFFF  }
0x37: {  	[dreg:$0x0] =	wrdreg $0xFFFFFFFF;
	(pc) =	sbr.abs _section_cstart, $3  }
0x38: {  	[dreg:$0x1] =	wrdreg $0xFFFFFFFF  }
0x39: {  	_ =	task.clear_ibuf [dreg:s7], $0x2FFFF;
	_ =	strace $0x9FFFFFFF  }
0x3a: {  	(tm) =	ssettm $0x7FFFFFFF  }
0x3b: {  	_ =	shalt  }
tec
execute0_lowered:
.L_overlay_start_1:
0x0: {  	(tag) =	ssettag $0x1  }
0x1: {  	s0 =	srdreg.scid  }
0x2: {  	s1 =	sshll.u32 s0, $0x4  }
0x3: {  	s2 =	rddreg [dreg:$0x0];
	s0 =	stileid.u32;
	s1 =	sand.u32 $0x10, s1  }
0x4: {  	s4 =	rddreg [dreg:$0x1];
	s7 =	simm.s32 $0x1;
	s1 =	sor.u32 s0, s1  }
0x5: {  	s8 =	simm.s32 $0x2;
	s9 =	simm.s32 $0x0;
	s3 =	sshll.u32 s1, $0x1  }
0x6: {  	s12 =	simm.s32 $0x0;
	s11 =	simm.s32 $0x0;
	s6 =	ssub.s32 $0x4000, s3  }
.Ltmp0:
0x7: {  	s4 =	sadd.s32 $0x1200, s4;
	s5 =	sand.u32 $0x3E, s6;
	(pc) =	sbr.rel .LBB1_1-.Ltmp0, $4  }
0x8: {  	s1 =	rddreg [dreg:$0x2];
	_ =	strace $0x80000047;
	p0 =	sne.s32 s5, $0x0  }
0x9: {  	s6 =	sshrl.u32 s6, $0x6;
	s5 =	simm.s32 $0x1;
	s7 =	simm.s32 @!p0 $0x0  }
0xa: {  	s10 =	smov.u32 s3;
	[sflag:s5] =	ssyncpa.u1 $0x0;
	s6 =	sadd.s32 s7, s6  }
0xb: {  	[sflag:s8] =	ssyncpa.u1 $0x0;
	s8 =	simm.s32 $0x0;
	s7 =	sadd.s32 $0x1, s6  }
.LBB1_9:
0xc: {  	s14 =	sadd.s32 $0x40, s10  }
0xd: {  	p1 =	sgt.s32 s14, $0x3FFF  }
0xe: {  	s14 =	smov.u32 @p1 s3;
	p1 =	sne.s32 s11, s7  }
.Ltmp1:
0xf: {  	p0 =	slt.u32 s11, $0x2;
	(pc) =	sbr.rel @!p1 .LBB1_10-.Ltmp1, $4  }
0x10: {  	s13 =	simm.s32 @!p0 $0x2  }
0x11: {  	s15 =	sadd.s32 $0x1, s11;
	_ =	swait.ge @!p0 [sflag:s13], $0x4000  }
0x12: {  	s12 =	smov.u32 s10;
	s9 =	sadd.s32 $0x4000, s9;
	[sflag:s13] =	ssyncset.done @!p0 $0x0  }
0x13: {  	s11 =	smov.u32 s15;
	s10 =	smov.u32 s14;
	[sflag:s13] =	ssyncadd.s32 @!p0 $0xFFFFC000  }
.LBB1_1:
0x14: {  	p0 =	sge.u32 s11, s6  }
0x15: {  	s13 =	sxor.u32 @!p0 $0xFFFFFFFF, s11  }
0x16: {  	s31 =	sadd.s32 $0xFFFFFFFF, s11;
	s14 =	sshll.u32 @!p0 s10, $0xA;
	s13 =	sshll.u32 @!p0 s13, $0xE  }
0x17: {  	s15 =	simm.s32 @!p0 $0x0;
	s14 =	sadd.s32 @!p0 s2, s14;
	s13 =	sand.u32 @!p0 $0x4000, s13  }
0x18: {  	[tilespmem:s13], [sflag:$0x1] =	stream.linear.gather @!p0 [hbm4b:s14+s15], $0x4000, $0x38;
	[tilespmem:$0x10000] =	vst v63  }
0x19: {  	p0 =	sge.u32 s31, s6  }
.Ltmp2:
0x1a: {  	_ = 	snop;
	(pc) =	sbr.rel @p0 .LBB1_9-.Ltmp2, $1  }
0x1b: {  	_ =	sdelay $0x3  }
0x1c: {  	s13 =	sshll.u32 s9, $0x2  }
0x1d: {  	_ =	swait.ge [sflag:s5], $0x4000;
	s14 =	sshll.u32 s11, $0xE;
	s16 =	simm.s32 $0x0  }
0x1e: {  	p1 =	por $0x1, $0x1;
	s13 =	sand.u32 $0x10000, s13;
	[sflag:s5] =	ssyncset.done $0x0  }
0x1f: {  	s14 =	sand.u32 $0x4000, s14;
	s15 =	sshrl.u32 s13, $0x2;
	[sflag:s5] =	ssyncadd.s32 $0xFFFFC000  }
0x20: {  	s13 =	sor.u32 $0x8000, s14;
	s14 =	sadd.s32 $0x8040, s15;
	s15 =	sadd.s32 $0x40, s15  }
.LBB1_3:
0x21: {  	s16 =	sshll.u32 s16, $0x2  }
0x22: {  	p0 =	por p1, p1;
	s17 =	sshra.s32 s16, $0x2  }
0x23: {  	s18 =	simm.s32 $0x0;
	s16 =	sadd.s32 s17, s14;
	s17 =	sadd.s32 s17, s15  }
.LBB1_4:
0x24: {  	v0 =	vmov s17;
	_ =	sdelay $0x3  }
0x25: {  	s20 =	simm.s32 $0x0  }
0x26: {  	v6 =	vld.idx.msk [tilespmem:v0+s20+$0x30 ss:$0x1], $0xffff  }
0x27: {  	v7 =	vld.idx.msk [tilespmem:v0+s20+$0xFFFFFFC0 ss:$0x1], $0xffff  }
0x28: {  	v5 =	vld.idx.msk [tilespmem:v0+s20+$0xFFFFFFD0 ss:$0x1], $0xffff  }
0x29: {  	v4 =	vld.idx.msk [tilespmem:v0+s20+$0xFFFFFFE0 ss:$0x1], $0xffff  }
0x2a: {  	v3 =	vld.idx.msk [tilespmem:v0+s20+$0xFFFFFFF0 ss:$0x1], $0xffff  }
0x2b: {  	v1 =	vld.idx.msk [tilespmem:v0+s20+$0x0 ss:$0x1], $0xffff  }
0x2c: {  	v2 =	vld.idx.msk [tilespmem:v0+s20+$0x10 ss:$0x1], $0xffff;
	[tilespmem:s16+$0x30] =	vst v6  }
0x2d: {  	s19 =	simm.s32 $0x80;
	s21 =	simm.s32 $0x400;
	[tilespmem:s16+$0xFFFFFFC0] =	vst v7;
	v6 =	vld.idx.msk [tilespmem:v0+s20+$0x20 ss:$0x1], $0xffff;
	s20 =	smov.u32 s16  }
.LBB1_5:
0x2e: {  	p1 =	sne.s32 s21, $0xE00;
	v7 =	vld.idx.msk [tilespmem:v0+s19+$0x30 ss:$0x1], $0xffff;
	[tilespmem:s20+$0xFFFFFFD0] =	vst v5  }
0x2f: {  	v8 =	vld.idx.msk [tilespmem:v0+s19+$0xFFFFFFC0 ss:$0x1], $0xffff;
	[tilespmem:s20+$0xFFFFFFE0] =	vst v4  }
0x30: {  	v5 =	vld.idx.msk [tilespmem:v0+s19+$0xFFFFFFD0 ss:$0x1], $0xffff;
	[tilespmem:s20+$0xFFFFFFF0] =	vst v3  }
.Ltmp3:
0x31: {  	v4 =	vld.idx.msk [tilespmem:v0+s19+$0xFFFFFFE0 ss:$0x1], $0xffff;
	[tilespmem:s20+$0x0] =	vst v1;
	(pc) =	sbr.rel @p1 .LBB1_5-.Ltmp3, $4  }
0x32: {  	v3 =	vld.idx.msk [tilespmem:v0+s19+$0xFFFFFFF0 ss:$0x1], $0xffff;
	[tilespmem:s20+$0x10] =	vst v2  }
0x33: {  	v1 =	vld.idx.msk [tilespmem:v0+s19+$0x0 ss:$0x1], $0xffff;
	[tilespmem:s20+$0x20] =	vst v6;
	s20 =	sadd.s32 $0x400, s20  }
0x34: {  	v2 =	vld.idx.msk [tilespmem:v0+s19+$0x10 ss:$0x1], $0xffff;
	[tilespmem:s20+$0x30] =	vst v7  }
0x35: {  	[tilespmem:s20+$0xFFFFFFC0] =	vst v8;
	v6 =	vld.idx.msk [tilespmem:v0+s19+$0x20 ss:$0x1], $0xffff;
	s19 =	sshra.s32 s21, $0x2;
	s21 =	sadd.s32 $0x200, s21  }
0x36: {  	_ =	sdelay $0x2  }
0x37: {  	[tilespmem:s20+$0xFFFFFFD0] =	vst v5  }
0x38: {  	v56 =	vld.idx.msk [tilespmem:v0+s19+$0x30 ss:$0x1], $0xffff;
	[tilespmem:s20+$0xFFFFFFE0] =	vst v4  }
0x39: {  	v57 =	vld.idx.msk [tilespmem:v0+s19+$0xFFFFFFC0 ss:$0x1], $0xffff;
	[tilespmem:s20+$0xFFFFFFF0] =	vst v3  }
0x3a: {  	v58 =	vld.idx.msk [tilespmem:v0+s19+$0xFFFFFFD0 ss:$0x1], $0xffff;
	[tilespmem:s20+$0x0] =	vst v1  }
0x3b: {  	v59 =	vld.idx.msk [tilespmem:v0+s19+$0xFFFFFFE0 ss:$0x1], $0xffff;
	[tilespmem:s20+$0x10] =	vst v2  }
0x3c: {  	v60 =	vld.idx.msk [tilespmem:v0+s19+$0xFFFFFFF0 ss:$0x1], $0xffff;
	s31 =	sadd.s32 $0x400, s20;
	[tilespmem:s20+$0x20] =	vst v6  }
0x3d: {  	v61 =	vld.idx.msk [tilespmem:v0+s19+$0x0 ss:$0x1], $0xffff;
	[tilespmem:s31+$0x30] =	vst v56  }
0x3e: {  	v62 =	vld.idx.msk [tilespmem:v0+s19+$0x10 ss:$0x1], $0xffff;
	s18 =	sadd.s32 $0x1, s18;
	[tilespmem:s31+$0xFFFFFFC0] =	vst v57  }
0x3f: {  	v63 =	vld.idx.msk [tilespmem:v0+s19+$0x20 ss:$0x1], $0xffff;
	p1 =	sne.s32 s18, $0x8;
	[tilespmem:s31+$0xFFFFFFD0] =	vst v58  }
.Ltmp4:
0x40: {  	[tilespmem:s31+$0xFFFFFFE0] =	vst v59;
	(pc) =	sbr.rel @p1 .LBB1_4-.Ltmp4, $4  }
0x41: {  	[tilespmem:s31+$0xFFFFFFF0] =	vst v60  }
0x42: {  	[tilespmem:s31+$0x0] =	vst v61  }
0x43: {  	[tilespmem:s31+$0x10] =	vst v62  }
0x44: {  	s16 =	sadd.s32 $0x80, s16;
	s17 =	sadd.s32 $0x400, s17;
	[tilespmem:s31+$0x20] =	vst v63  }
.Ltmp5:
0x45: {  	(pc) =	sbr.rel @p0 .LBB1_3-.Ltmp5, $2  }
0x46: {  	_ =	sdelay $0x2  }
0x47: {  	s16 =	simm.s32 $0x2000;
	p1 =	por $0x0, $0x0  }
.Ltmp6:
0x48: {  	(pc) =	sbr.rel .LBB1_9-.Ltmp6, $4  }
0x49: {  	_ = 	snop  }
0x4a: {  	s12 =	sshll.u32 s12, $0xA  }
0x4b: {  	s12 =	sadd.s32 s4, s12  }
0x4c: {  	[hbm4b:s12+s8] =	stream.linear.scatter [tilespmem:s13], [sflag:$0x2], $0x4000, $0x38;
	[tilespmem:$0x10000] =	vst v63  }
.LBB1_10:
0x4d: {  	_ =	sfence.sel $0x180000  }
0x4e: {  	s2 =	simm.s32 $0x1;
	[bflag:$0x0] =	sbarrier.arrive $0xFFFF  }
0x4f: {  	s31 =	simm.s32 $0x2;
	[sflag:s2] =	ssyncpa.u1 $0x1  }
0x50: {  	[sflag:s31] =	ssyncpa.u1 $0x1  }
0x51: {  	p0 =	sne.s32 s0, $0x0;
	_ =	strace $0x90000047  }
0x52: {  	s0 =	sadd.s32 @!p0 $0x100000, s1;
	[bflag:$0x2] =	sbarrier.arrive $0xFFFF  }
0x53: {  	[sflag:s0] =	ssyncadd.tile.s32 @!p0 $0x1;
	_ =	shalt  }
.Lfunc_end1:
_tile_overlayer_lowered:
.L_overlay_start_2:
0x54: {  	(tag) =	ssettag $0x2  }
0x55: {  	s0 =	rddreg [dreg:$0x0];
	s2 =	stileid.u32  }
0x56: {  	s1 =	rddreg [dreg:$0x1];
	p0 =	sne.s32 s2, $0x0  }
0x57: {  	s3 =	rddreg [dreg:$0x2];
	[bflag:$0x3] =	sbarrier.arrive $0xFFFF;
	s2 =	simm.s32 @!p0 $0x1C01  }
0x58: {  	[timem:s3], [sflag:s2] =	dma.local @!p0 [hbm:s0], s1  }
0x59: {  	s0 =	simm.s32 @!p0 $0x1  }
0x5a: {  	_ =	swait.ge @!p0 [sflag:s0], s1  }
0x5b: {  	s1 =	ssub.s32 @!p0 $0x0, s1;
	[sflag:s0] =	ssyncset.done @!p0 $0x0  }
0x5c: {  	[sflag:s0] =	ssyncadd.s32 @!p0 s1  }
0x5d: {  	[bflag:$0x3] =	sbarrier.arrive $0xFFFF  }
0x5e: {  	_ =	shalt  }

// kernel: sparse-core-data-format-call.cloned.1.call-start
scs
called_computation_lowered:
.L_overlay_start_0:
0x0: {  	s2 =	sld [smem:$0x3FD9]  }
0x1: {  	s3 =	sld [smem:$0x3FFE];
	_ =	sdelay $0x1  }
0x2: {  	s1 =	srdreg.scid  }
0x3: {  	s0 =	sand.u32 $0x1, s1  }
0x4: {  	s18 =	sshll.u32 s0, $0xA;
	s2 =	sadd.s32 s3, s2  }
0x5: {  	s2 =	sadd.s32 s2, s18  }
0x6: {  	[smem:$0x3FC1] =	sst s2  }
0x7: {  	_ = 	snop  }
0x8: {  	s2 =	sld [smem:$0x3FD0];
	(tm) =	ssettm $0x1  }
0x9: {  	s19 =	sld [smem:$0x3FFB];
	_ =	sdelay $0x3  }
0xa: {  	_ =	strace s19  }
0xb: {  	s3 =	sld [smem:$0x3FFC];
	_ =	sdelay $0x3  }
0xc: {  	_ =	strace s3  }
0xd: {  	s3 =	sld [smem:$0x3FFD];
	_ =	sdelay $0x3  }
0xe: {  	_ =	strace s3  }
0xf: {  	_ =	strace $0x8FFFFFFF  }
0x10: {  	s20 =	sld [smem:$0x3FDB];
	_ =	sdelay $0x1  }
0x11: {  	s4 =	simm.s32 $_scs_section_size  }
0x12: {  	s5 =	simm.s32 $_size__tile_overlayer_lowered;
	s6 =	simm.s32 $_tile_overlayer_lowered  }
0x13: {  	s23 =	simm.s32 $0x1BFF;
	s22 =	sshll.u32 s6, $0x1;
	s3 =	sadd.s32 s4, s20  }
0x14: {  	s7 =	simm.s32 $0x0;
	s21 =	sshll.u32 s5, $0x1;
	s5 =	sadd.s32 s22, s3  }
0x15: {  	[timem:s7], [sflag:s23] =	dma.local [hbm:s5], s21  }
0x16: {  	_ =	swait.ge [sflag:s23], s21  }
0x17: {  	s4 =	ssub.s32 $0x0, s21;
	[sflag:s23] =	ssyncset.done $0x0  }
0x18: {  	[sflag:s23] =	ssyncadd.s32 s4;
	_ =	sdelay $0x1  }
0x19: {  	s24 =	simm.s32 $0x1B8B  }
0x1a: {  	_ =	swait.ge [sflag:s24], $0x1  }
0x1b: {  	[sflag:s24] =	ssyncset.done $0x0  }
0x1c: {  	s26 =	simm.s32 $0x1B8E;
	s25 =	sld [smem:$0x3FFE];
	[sflag:s24] =	ssyncadd.s32 $0xFFFFFFFF  }
0x1d: {  	s27 =	simm.s32 $execute0_lowered;
	[smem:$0x3FD2] =	sst s26  }
0x1e: {  	s5 =	sshll.u32 s27, $0x1;
	_ =	strace $0x8000004C;
	[dreg:$0x1] =	wrdreg $0xFFFFFFFF  }
0x1f: {  	s28 =	simm.s32 $_size_execute0_lowered;
	s3 =	sadd.s32 s3, s5;
	[dreg:$0x0] =	wrdreg $0x0  }
0x20: {  	s5 =	sshll.u32 s28, $0x1;
	[dreg:$0x2] =	wrdreg s3  }
0x21: {  	[dreg:$0x3] =	wrdreg s5  }
0x22: {  	[dreg:$0x4] =	wrdreg $0xC0  }
0x23: {  	_ =	task [dreg:s7], $0x5FFFF  }
0x24: {  	[dreg:$0x1] =	wrdreg $0xFFFFFFFF  }
0x25: {  	[dreg:$0x0] =	wrdreg $0x60  }
0x26: {  	[dreg:$0x2] =	wrdreg s25  }
0x27: {  	[dreg:$0x3] =	wrdreg s2  }
0x28: {  	[dreg:$0x4] =	wrdreg $0x9  }
0x29: {  	_ =	task.clear_ibuf [dreg:s7], $0x5FFFF;
	_ =	strace $0x9000004C  }
0x2a: {  	s29 =	simm.s32 $0x9;
	_ =	strace $0x8000004E  }
0x2b: {  	_ =	swait.ge [sflag:s29], $0x1  }
0x2c: {  	[sflag:s29] =	ssyncadd.s32 $0xFFFFFFFF  }
0x2d: {  	_ =	strace $0x9000004E  }
0x2e: {  	_ =	sfence  }
0x2f: {  	s30 =	sld [smem:$0x0];
	_ =	sdelay $0x2  }
0x30: {  	s31 =	sshll.u32 s1, $0xD;
	s1 =	sshrl.u32 s1, $0x2  }
0x31: {  	s3 =	sand.u32 $0x4000, s31;
	s1 =	sadd.s32 s1, s30  }
0x32: {  	s0 =	sor.u32 s3, s0;
	s1 =	sshll.u32 s1, $0x11  }
0x33: {  	s0 =	sor.u32 s1, s0  }
0x34: {  	s0 =	sadd.s32 $0x8F2B, s0  }
0x35: {  	[sflag:s0] =	ssyncadd.remote.s32 $0x1  }
0x36: {  	_ =	sfence.sel $0xFFFF  }
0x37: {  	[dreg:$0x0] =	wrdreg $0xFFFFFFFF;
	(pc) =	sbr.abs _section_cstart, $3  }
0x38: {  	[dreg:$0x1] =	wrdreg $0xFFFFFFFF  }
0x39: {  	_ =	task.clear_ibuf [dreg:s7], $0x2FFFF;
	_ =	strace $0x9FFFFFFF  }
0x3a: {  	(tm) =	ssettm $0x7FFFFFFF  }
0x3b: {  	_ =	shalt  }
tec
execute0_lowered:
.L_overlay_start_1:
0x0: {  	(tag) =	ssettag $0x1  }
0x1: {  	s0 =	srdreg.scid  }
0x2: {  	s1 =	sshll.u32 s0, $0x4  }
0x3: {  	s4 =	rddreg [dreg:$0x0];
	s0 =	stileid.u32;
	s1 =	sand.u32 $0x10, s1  }
0x4: {  	s2 =	rddreg [dreg:$0x1];
	s7 =	simm.s32 $0x1;
	s1 =	sor.u32 s0, s1  }
0x5: {  	s8 =	simm.s32 $0x2;
	s9 =	simm.s32 $0x0;
	s3 =	sshll.u32 s1, $0x1  }
0x6: {  	s12 =	simm.s32 $0x0;
	s11 =	simm.s32 $0x0;
	s6 =	ssub.s32 $0x4000, s3  }
.Ltmp0:
0x7: {  	s4 =	sadd.s32 $0x1200, s4;
	s5 =	sand.u32 $0x3E, s6;
	(pc) =	sbr.rel .LBB1_1-.Ltmp0, $4  }
0x8: {  	s1 =	rddreg [dreg:$0x2];
	_ =	strace $0x8000004D;
	p0 =	sne.s32 s5, $0x0  }
0x9: {  	s6 =	sshrl.u32 s6, $0x6;
	s5 =	simm.s32 $0x1;
	s7 =	simm.s32 @!p0 $0x0  }
0xa: {  	s10 =	smov.u32 s3;
	[sflag:s5] =	ssyncpa.u1 $0x0;
	s6 =	sadd.s32 s7, s6  }
0xb: {  	[sflag:s8] =	ssyncpa.u1 $0x0;
	s8 =	simm.s32 $0x0;
	s7 =	sadd.s32 $0x1, s6  }
.LBB1_9:
0xc: {  	s14 =	sadd.s32 $0x40, s10  }
0xd: {  	p1 =	sgt.s32 s14, $0x3FFF  }
0xe: {  	s14 =	smov.u32 @p1 s3;
	p1 =	sne.s32 s11, s7  }
.Ltmp1:
0xf: {  	p0 =	slt.u32 s11, $0x2;
	(pc) =	sbr.rel @!p1 .LBB1_10-.Ltmp1, $4  }
0x10: {  	s13 =	simm.s32 @!p0 $0x2  }
0x11: {  	s15 =	sadd.s32 $0x1, s11;
	_ =	swait.ge @!p0 [sflag:s13], $0x4000  }
0x12: {  	s12 =	smov.u32 s10;
	s9 =	sadd.s32 $0x4000, s9;
	[sflag:s13] =	ssyncset.done @!p0 $0x0  }
0x13: {  	s11 =	smov.u32 s15;
	s10 =	smov.u32 s14;
	[sflag:s13] =	ssyncadd.s32 @!p0 $0xFFFFC000  }
.LBB1_1:
0x14: {  	p0 =	sge.u32 s11, s6  }
0x15: {  	s13 =	sxor.u32 @!p0 $0xFFFFFFFF, s11  }
0x16: {  	s31 =	sadd.s32 $0xFFFFFFFF, s11;
	s14 =	sshll.u32 @!p0 s10, $0xA;
	s13 =	sshll.u32 @!p0 s13, $0xE  }
0x17: {  	s15 =	simm.s32 @!p0 $0x0;
	s14 =	sadd.s32 @!p0 s4, s14;
	s13 =	sand.u32 @!p0 $0x4000, s13  }
0x18: {  	[tilespmem:s13], [sflag:$0x1] =	stream.linear.gather @!p0 [hbm4b:s14+s15], $0x4000, $0x38;
	[tilespmem:$0x10000] =	vst v63  }
0x19: {  	p0 =	sge.u32 s31, s6  }
.Ltmp2:
0x1a: {  	_ = 	snop;
	(pc) =	sbr.rel @p0 .LBB1_9-.Ltmp2, $1  }
0x1b: {  	_ =	sdelay $0x3  }
0x1c: {  	s13 =	sshll.u32 s9, $0x2  }
0x1d: {  	_ =	swait.ge [sflag:s5], $0x4000;
	s14 =	sshll.u32 s11, $0xE;
	s16 =	simm.s32 $0x0  }
0x1e: {  	p1 =	por $0x1, $0x1;
	s13 =	sand.u32 $0x10000, s13;
	[sflag:s5] =	ssyncset.done $0x0  }
0x1f: {  	s14 =	sand.u32 $0x4000, s14;
	s15 =	sshrl.u32 s13, $0x2;
	[sflag:s5] =	ssyncadd.s32 $0xFFFFC000  }
0x20: {  	s13 =	sor.u32 $0x8000, s14;
	s14 =	sadd.s32 $0x8040, s15;
	s15 =	sadd.s32 $0x40, s15  }
.LBB1_3:
0x21: {  	s16 =	sshll.u32 s16, $0x2  }
0x22: {  	p0 =	por p1, p1;
	s17 =	sshra.s32 s16, $0x2  }
0x23: {  	s18 =	simm.s32 $0x0;
	s16 =	sadd.s32 s17, s14;
	s17 =	sadd.s32 s17, s15  }
.LBB1_4:
0x24: {  	v0 =	vmov s17;
	_ =	sdelay $0x3  }
0x25: {  	s20 =	simm.s32 $0x0  }
0x26: {  	v6 =	vld.idx.msk [tilespmem:v0+s20+$0x30 ss:$0x1], $0xffff  }
0x27: {  	v7 =	vld.idx.msk [tilespmem:v0+s20+$0xFFFFFFC0 ss:$0x1], $0xffff  }
0x28: {  	v5 =	vld.idx.msk [tilespmem:v0+s20+$0xFFFFFFD0 ss:$0x1], $0xffff  }
0x29: {  	v4 =	vld.idx.msk [tilespmem:v0+s20+$0xFFFFFFE0 ss:$0x1], $0xffff  }
0x2a: {  	v3 =	vld.idx.msk [tilespmem:v0+s20+$0xFFFFFFF0 ss:$0x1], $0xffff  }
0x2b: {  	v1 =	vld.idx.msk [tilespmem:v0+s20+$0x0 ss:$0x1], $0xffff  }
0x2c: {  	v2 =	vld.idx.msk [tilespmem:v0+s20+$0x10 ss:$0x1], $0xffff;
	[tilespmem:s16+$0x30] =	vst v6  }
0x2d: {  	s19 =	simm.s32 $0x80;
	s21 =	simm.s32 $0x400;
	[tilespmem:s16+$0xFFFFFFC0] =	vst v7;
	v6 =	vld.idx.msk [tilespmem:v0+s20+$0x20 ss:$0x1], $0xffff;
	s20 =	smov.u32 s16  }
.LBB1_5:
0x2e: {  	p1 =	sne.s32 s21, $0xE00;
	v7 =	vld.idx.msk [tilespmem:v0+s19+$0x30 ss:$0x1], $0xffff;
	[tilespmem:s20+$0xFFFFFFD0] =	vst v5  }
0x2f: {  	v8 =	vld.idx.msk [tilespmem:v0+s19+$0xFFFFFFC0 ss:$0x1], $0xffff;
	[tilespmem:s20+$0xFFFFFFE0] =	vst v4  }
0x30: {  	v5 =	vld.idx.msk [tilespmem:v0+s19+$0xFFFFFFD0 ss:$0x1], $0xffff;
	[tilespmem:s20+$0xFFFFFFF0] =	vst v3  }
.Ltmp3:
0x31: {  	v4 =	vld.idx.msk [tilespmem:v0+s19+$0xFFFFFFE0 ss:$0x1], $0xffff;
	[tilespmem:s20+$0x0] =	vst v1;
	(pc) =	sbr.rel @p1 .LBB1_5-.Ltmp3, $4  }
0x32: {  	v3 =	vld.idx.msk [tilespmem:v0+s19+$0xFFFFFFF0 ss:$0x1], $0xffff;
	[tilespmem:s20+$0x10] =	vst v2  }
0x33: {  	v1 =	vld.idx.msk [tilespmem:v0+s19+$0x0 ss:$0x1], $0xffff;
	[tilespmem:s20+$0x20] =	vst v6;
	s20 =	sadd.s32 $0x400, s20  }
0x34: {  	v2 =	vld.idx.msk [tilespmem:v0+s19+$0x10 ss:$0x1], $0xffff;
	[tilespmem:s20+$0x30] =	vst v7  }
0x35: {  	[tilespmem:s20+$0xFFFFFFC0] =	vst v8;
	v6 =	vld.idx.msk [tilespmem:v0+s19+$0x20 ss:$0x1], $0xffff;
	s19 =	sshra.s32 s21, $0x2;
	s21 =	sadd.s32 $0x200, s21  }
0x36: {  	_ =	sdelay $0x2  }
0x37: {  	[tilespmem:s20+$0xFFFFFFD0] =	vst v5  }
0x38: {  	v56 =	vld.idx.msk [tilespmem:v0+s19+$0x30 ss:$0x1], $0xffff;
	[tilespmem:s20+$0xFFFFFFE0] =	vst v4  }
0x39: {  	v57 =	vld.idx.msk [tilespmem:v0+s19+$0xFFFFFFC0 ss:$0x1], $0xffff;
	[tilespmem:s20+$0xFFFFFFF0] =	vst v3  }
0x3a: {  	v58 =	vld.idx.msk [tilespmem:v0+s19+$0xFFFFFFD0 ss:$0x1], $0xffff;
	[tilespmem:s20+$0x0] =	vst v1  }
0x3b: {  	v59 =	vld.idx.msk [tilespmem:v0+s19+$0xFFFFFFE0 ss:$0x1], $0xffff;
	[tilespmem:s20+$0x10] =	vst v2  }
0x3c: {  	v60 =	vld.idx.msk [tilespmem:v0+s19+$0xFFFFFFF0 ss:$0x1], $0xffff;
	s31 =	sadd.s32 $0x400, s20;
	[tilespmem:s20+$0x20] =	vst v6  }
0x3d: {  	v61 =	vld.idx.msk [tilespmem:v0+s19+$0x0 ss:$0x1], $0xffff;
	[tilespmem:s31+$0x30] =	vst v56  }
0x3e: {  	v62 =	vld.idx.msk [tilespmem:v0+s19+$0x10 ss:$0x1], $0xffff;
	s18 =	sadd.s32 $0x1, s18;
	[tilespmem:s31+$0xFFFFFFC0] =	vst v57  }
0x3f: {  	v63 =	vld.idx.msk [tilespmem:v0+s19+$0x20 ss:$0x1], $0xffff;
	p1 =	sne.s32 s18, $0x8;
	[tilespmem:s31+$0xFFFFFFD0] =	vst v58  }
.Ltmp4:
0x40: {  	[tilespmem:s31+$0xFFFFFFE0] =	vst v59;
	(pc) =	sbr.rel @p1 .LBB1_4-.Ltmp4, $4  }
0x41: {  	[tilespmem:s31+$0xFFFFFFF0] =	vst v60  }
0x42: {  	[tilespmem:s31+$0x0] =	vst v61  }
0x43: {  	[tilespmem:s31+$0x10] =	vst v62  }
0x44: {  	s16 =	sadd.s32 $0x80, s16;
	s17 =	sadd.s32 $0x400, s17;
	[tilespmem:s31+$0x20] =	vst v63  }
.Ltmp5:
0x45: {  	(pc) =	sbr.rel @p0 .LBB1_3-.Ltmp5, $2  }
0x46: {  	_ =	sdelay $0x2  }
0x47: {  	s16 =	simm.s32 $0x2000;
	p1 =	por $0x0, $0x0  }
.Ltmp6:
0x48: {  	(pc) =	sbr.rel .LBB1_9-.Ltmp6, $4  }
0x49: {  	_ = 	snop  }
0x4a: {  	s12 =	sshll.u32 s12, $0xA  }
0x4b: {  	s12 =	sadd.s32 s2, s12  }
0x4c: {  	[hbm4b:s12+s8] =	stream.linear.scatter [tilespmem:s13], [sflag:$0x2], $0x4000, $0x38;
	[tilespmem:$0x10000] =	vst v63  }
.LBB1_10:
0x4d: {  	_ =	sfence.sel $0x180000  }
0x4e: {  	s2 =	simm.s32 $0x1;
	[bflag:$0x0] =	sbarrier.arrive $0xFFFF  }
0x4f: {  	s31 =	simm.s32 $0x2;
	[sflag:s2] =	ssyncpa.u1 $0x1  }
0x50: {  	[sflag:s31] =	ssyncpa.u1 $0x1  }
0x51: {  	p0 =	sne.s32 s0, $0x0;
	_ =	strace $0x9000004D  }
0x52: {  	s0 =	sadd.s32 @!p0 $0x100000, s1;
	[bflag:$0x2] =	sbarrier.arrive $0xFFFF  }
0x53: {  	[sflag:s0] =	ssyncadd.tile.s32 @!p0 $0x1;
	_ =	shalt  }
.Lfunc_end1:
_tile_overlayer_lowered:
.L_overlay_start_2:
0x54: {  	(tag) =	ssettag $0x2  }
0x55: {  	s0 =	rddreg [dreg:$0x0];
	s2 =	stileid.u32  }
0x56: {  	s1 =	rddreg [dreg:$0x1];
	p0 =	sne.s32 s2, $0x0  }
0x57: {  	s3 =	rddreg [dreg:$0x2];
	[bflag:$0x3] =	sbarrier.arrive $0xFFFF;
	s2 =	simm.s32 @!p0 $0x1C01  }
0x58: {  	[timem:s3], [sflag:s2] =	dma.local @!p0 [hbm:s0], s1  }
0x59: {  	s0 =	simm.s32 @!p0 $0x1  }
0x5a: {  	_ =	swait.ge @!p0 [sflag:s0], s1  }
0x5b: {  	s1 =	ssub.s32 @!p0 $0x0, s1;
	[sflag:s0] =	ssyncset.done @!p0 $0x0  }
0x5c: {  	[sflag:s0] =	ssyncadd.s32 @!p0 s1  }
0x5d: {  	[bflag:$0x3] =	sbarrier.arrive $0xFFFF  }
0x5e: {  	_ =	shalt  }

</sc_bundles>
